<compile_context>
chip_gen: v7x
topology: tpu7x:2x2x1
jax: 0.10.2.dev20260603
libtpu: 0.0.44.dev20260713+nightly
codegen_flags: <defaults>
</compile_context>

<pallas_src>
import jax
import jax.numpy as jnp
from jax import lax
from jax.experimental import pallas as pl
from jax.experimental.pallas import tpu as pltpu
from jax.experimental.pallas import tpu_sc as plsc

NC = 2
NS = 16
NW = NC * NS
G = 128
LW = 128


def _affine(p):
    scale = p["g"] / jnp.sqrt(p["v"] + 1e-3)
    shift = p["b"] - p["m"] * scale
    return scale[None, :], shift[None, :]



def _full(shape):
    return pl.BlockSpec(shape, lambda i: (0,) * len(shape))


def _msg_pad(m, blk, h):
    cols = lax.broadcasted_iota(jnp.int32, (blk, LW), 1)
    return jnp.where(cols == h, 1.0, m)


def _tc1_body(nf, s0, t0, W0, b0, s1, t1, W1, b1, x_out, m_out):
    x = jax.nn.gelu((nf[...] * s0[...] + t0[...]) @ W0[...] + b0[...])
    x_out[...] = x
    m = jax.nn.gelu((x * s1[...] + t1[...]) @ W1[...] + b1[...])
    m_out[...] = _msg_pad(m, x.shape[0], W0.shape[1])


def _tc1(nf, pre, prep, N, DF, H, BLK):
    s0, t0 = _affine(pre)
    s1, t1 = _affine(prep)
    W1p = jnp.zeros((H, LW), jnp.float32).at[:, :H].set(prep["W"])
    b1p = jnp.zeros((1, LW), jnp.float32).at[0, :H].set(prep["bias"])
    s1p = jnp.zeros((1, H), jnp.float32).at[0, :H].set(s1[0])
    return pl.pallas_call(
        _tc1_body,
        grid=(N // BLK,),
        in_specs=[
            pl.BlockSpec((BLK, DF), lambda i: (i, 0)),
            _full((1, DF)), _full((1, DF)), _full((DF, H)), _full((1, H)),
            _full((1, H)), _full((1, H)), _full((H, LW)), _full((1, LW)),
        ],
        out_specs=[pl.BlockSpec((BLK, H), lambda i: (i, 0)),
                   pl.BlockSpec((BLK, LW), lambda i: (i, 0))],
        out_shape=[jax.ShapeDtypeStruct((N, H), jnp.float32),
                   jax.ShapeDtypeStruct((N, LW), jnp.float32)],
    )(nf, s0, t0, pre["W"], pre["bias"][None, :], s1p, t1, W1p, b1p)


def _agg(p0, p1, h):
    s = p0[...] + p1[...]
    cnt = s[:, h:h + 1]
    return s[:, :h] / jnp.maximum(cnt, 1.0)


def _tc2_body(x, p0, p1, su, tu, Wu, bu, sp, tp, Wp, bp, x2_out, m2_out):
    H = x.shape[1]
    agg = _agg(p0, p1, H)
    h = jnp.concatenate([x[...], agg], axis=1)
    x2 = jax.nn.gelu((h * su[...] + tu[...]) @ Wu[...] + bu[...]) + x[...]
    x2_out[...] = x2
    m2 = jax.nn.gelu((x2 * sp[...] + tp[...]) @ Wp[...] + bp[...])
    m2_out[...] = _msg_pad(m2, x2.shape[0], H)


def _tc2(x, p0, p1, upd, prep, N, H, BLK):
    su, tu = _affine(upd)
    sp, tp = _affine(prep)
    Wpp = jnp.zeros((H, LW), jnp.float32).at[:, :H].set(prep["W"])
    bpp = jnp.zeros((1, LW), jnp.float32).at[0, :H].set(prep["bias"])
    blk_h = pl.BlockSpec((BLK, H), lambda i: (i, 0))
    blk_w = pl.BlockSpec((BLK, LW), lambda i: (i, 0))
    return pl.pallas_call(
        _tc2_body,
        grid=(N // BLK,),
        in_specs=[
            blk_h, blk_w, blk_w,
            _full((1, 2 * H)), _full((1, 2 * H)), _full((2 * H, H)), _full((1, H)),
            _full((1, H)), _full((1, H)), _full((H, LW)), _full((1, LW)),
        ],
        out_specs=[blk_h, blk_w],
        out_shape=[jax.ShapeDtypeStruct((N, H), jnp.float32),
                   jax.ShapeDtypeStruct((N, LW), jnp.float32)],
    )(x, p0, p1, su, tu, upd["W"], upd["bias"][None, :],
      sp, tp, Wpp, bpp)


def _tc3_body(x, p0, p1, su, tu, Wu, bu, so, to, Wo, bo, Wz, bz, z_out):
    H = x.shape[1]
    agg = _agg(p0, p1, H)
    h = jnp.concatenate([x[...], agg], axis=1)
    x3 = jax.nn.gelu((h * su[...] + tu[...]) @ Wu[...] + bu[...]) + x[...]
    y = jax.nn.gelu((x3 * so[...] + to[...]) @ Wo[...] + bo[...])
    z_out[...] = y @ Wz[...] + bz[...]


def _tc3(x, p0, p1, upd, post, Wz, bz, N, H, BLK):
    su, tu = _affine(upd)
    so, to = _affine(post)
    NCLS = Wz.shape[1]
    Wzp = jnp.zeros((H, LW), jnp.float32).at[:, :NCLS].set(Wz)
    bzp = jnp.zeros((1, LW), jnp.float32).at[0, :NCLS].set(bz)
    blk_h = pl.BlockSpec((BLK, H), lambda i: (i, 0))
    blk_w = pl.BlockSpec((BLK, LW), lambda i: (i, 0))
    return pl.pallas_call(
        _tc3_body,
        grid=(N // BLK,),
        in_specs=[
            blk_h, blk_w, blk_w,
            _full((1, 2 * H)), _full((1, 2 * H)), _full((2 * H, H)), _full((1, H)),
            _full((1, H)), _full((1, H)), _full((H, H)), _full((1, H)),
            _full((H, LW)), _full((1, LW)),
        ],
        out_specs=blk_w,
        out_shape=jax.ShapeDtypeStruct((N, LW), jnp.float32),
    )(x, p0, p1, su, tu, upd["W"], upd["bias"][None, :],
      so, to, post["W"], post["bias"][None, :], Wzp, bzp)



def _sc_conv(m, nbr2d, dst2d, zrows, K, NPAD, RT):
    mesh = plsc.VectorSubcoreMesh(core_axis_name="c", subcore_axis_name="s")

    def body(m_hbm, nbr_hbm, dst_hbm, z_hbm, s_out,
             idx_nbr, idx_dst, rows, acc, sem):
        c = lax.axis_index("c")
        s = lax.axis_index("s")
        wid = s * NC + c
        pltpu.sync_copy(nbr_hbm.at[pl.ds(wid * K, K)], idx_nbr)
        pltpu.sync_copy(dst_hbm.at[pl.ds(wid * K, K)], idx_dst)
        pltpu.sync_copy(z_hbm, acc.at[pl.ds(s * RT, RT)])
        plsc.subcore_barrier()

        def step(j, carry):
            pltpu.async_copy(m_hbm.at[idx_nbr.at[j]], rows, sem).wait()
            pltpu.sync_copy(rows, acc.at[idx_dst.at[j]], add=True)
            return carry

        lax.fori_loop(0, K, step, 0)
        plsc.subcore_barrier()
        pltpu.sync_copy(acc.at[pl.ds(s * RT, RT)],
                        s_out.at[c, pl.ds(s * RT, RT)])

    fn = pl.kernel(
        body,
        out_type=jax.ShapeDtypeStruct((NC, NPAD, LW), jnp.float32),
        mesh=mesh,
        scratch_types=[
            pltpu.VMEM((K, G), jnp.int32),
            pltpu.VMEM((K, G), jnp.int32),
            pltpu.VMEM((G, LW), jnp.float32),
            pltpu.VMEM_SHARED((NPAD, LW), jnp.float32),
            pltpu.SemaphoreType.DMA,
        ],
    )
    return fn(m, nbr2d, dst2d, zrows)


def _sc_gather(z, idx, B):
    bpw = B // NW
    mesh = plsc.VectorSubcoreMesh(core_axis_name="c", subcore_axis_name="s")

    def body(z_hbm, idx_hbm, out_hbm, idx_v, rows_v, sem):
        wid = lax.axis_index("s") * NC + lax.axis_index("c")
        base = wid * bpw
        pltpu.sync_copy(idx_hbm.at[pl.ds(base, bpw)], idx_v)
        pltpu.async_copy(z_hbm.at[idx_v], rows_v, sem).wait()
        pltpu.sync_copy(rows_v, out_hbm.at[pl.ds(base, bpw)])

    fn = pl.kernel(
        body,
        out_type=jax.ShapeDtypeStruct((B, LW), jnp.float32),
        mesh=mesh,
        scratch_types=[
            pltpu.VMEM((bpw,), jnp.int32),
            pltpu.VMEM((bpw, LW), jnp.float32),
            pltpu.SemaphoreType.DMA,
        ],
    )
    return fn(z, idx)



def kernel(input_node_indices, node_features, edge_index, params):
    N, DF = node_features.shape
    H = params["pre"]["W"].shape[1]
    NCLS = params["out_W"].shape[1]
    E = edge_index.shape[1]
    B = input_node_indices.shape[0]

    BLK = 1000
    K = (-(-E // (NW * G)) + 7) // 8 * 8
    EP = NW * K * G
    NPAD = ((N + 1 + NS * 8 - 1) // (NS * 8)) * (NS * 8)
    RT = NPAD // NS

    dst = edge_index[0]
    nbr = edge_index[1]
    pad = EP - E
    pad_ar = jnp.arange(pad, dtype=jnp.int32)
    nbr2d = jnp.concatenate([nbr, pad_ar % N]).reshape(NW * K, G)
    dst2d = jnp.concatenate([dst, N + pad_ar % (NPAD - N)]).reshape(NW * K, G)

    zrows = jnp.zeros((RT, LW), jnp.float32)

    p = params
    x, m1 = _tc1(node_features, p["pre"], p["c1_prep"], N, DF, H, BLK)
    s1 = _sc_conv(m1, nbr2d, dst2d, zrows, K, NPAD, RT)
    x2, m2 = _tc2(x, s1[0, :N], s1[1, :N], p["c1_upd"], p["c2_prep"], N, H, BLK)
    s2 = _sc_conv(m2, nbr2d, dst2d, zrows, K, NPAD, RT)
    z = _tc3(x2, s2[0, :N], s2[1, :N],
             p["c2_upd"], p["post"], p["out_W"], p["out_bias"], N, H, BLK)
    return _sc_gather(z, input_node_indices, B)[:, :NCLS]

# --- scband reference (transcript-rebuilt; emitter-appended) ---
"""Pipeline reference for scband-gnnnode-classifier-12300786335976 (READ-ONLY COPY).

The authoritative reference and input builder live on the scoring server;
editing this copy changes nothing except your own understanding.
"""

import jax, jax.numpy as jnp
import numpy as np

N = 10000
E = 320000
D_FEAT = 128
H = 32
NUM_CLASSES = 16
B = 1024


def _ffn_params(k, din, dout):
    k1, _ = jax.random.split(k)
    return {
        "g": jnp.ones((din,), jnp.float32),
        "b": jnp.zeros((din,), jnp.float32),
        "m": jnp.zeros((din,), jnp.float32),
        "v": jnp.ones((din,), jnp.float32),
        "W": jax.random.normal(k1, (din, dout), jnp.float32) * (1.0 / np.sqrt(din)),
        "bias": jnp.zeros((dout,), jnp.float32),
    }


def setup_inputs(seed: int = 0):
    key = jax.random.key(seed)
    ks = jax.random.split(key, 12)
    node_features = jax.random.normal(ks[0], (N, D_FEAT), dtype=jnp.float32)
    edge_index = jax.random.randint(ks[1], (2, E), 0, N, dtype=jnp.int32)
    input_node_indices = jax.random.randint(ks[2], (B,), 0, N, dtype=jnp.int32)
    params = {
        "pre": _ffn_params(ks[3], D_FEAT, H),
        "c1_prep": _ffn_params(ks[4], H, H),
        "c1_upd": _ffn_params(ks[5], 2 * H, H),
        "c2_prep": _ffn_params(ks[6], H, H),
        "c2_upd": _ffn_params(ks[7], 2 * H, H),
        "post": _ffn_params(ks[8], H, H),
        "out_W": jax.random.normal(ks[9], (H, NUM_CLASSES), jnp.float32) * (1.0 / np.sqrt(H)),
        "out_bias": jnp.zeros((NUM_CLASSES,), jnp.float32),
    }
    return {
        "input_node_indices": input_node_indices,
        "node_features": node_features,
        "edge_index": edge_index,
        "params": params,
    }


def _ffn(x, p):
    # BatchNorm (inference mode: moving stats) -> Dropout (identity at eval) -> Dense+gelu
    x = (x - p["m"]) / jnp.sqrt(p["v"] + 1e-3) * p["g"] + p["b"]
    return jax.nn.gelu(x @ p["W"] + p["bias"])


def reference(input_node_indices, node_features, edge_index, params):
    dst = edge_index[0]  # node_indices (aggregation targets)
    nbr = edge_index[1]  # neighbour_indices (gather sources)

    def conv(x, pp, pu):
        neigh = jnp.take(x, nbr, axis=0)
        msgs = _ffn(neigh, pp)
        s = jax.ops.segment_sum(msgs, dst, num_segments=N)
        c = jax.ops.segment_sum(jnp.ones((E, 1), jnp.float32), dst, num_segments=N)
        agg = s / jnp.maximum(c, 1.0)  # unsorted_segment_mean
        h = jnp.concatenate([x, agg], axis=1)  # combination_type='concat'
        return _ffn(h, pu)

    x = _ffn(node_features, params["pre"])
    x = conv(x, params["c1_prep"], params["c1_upd"]) + x
    x = conv(x, params["c2_prep"], params["c2_upd"]) + x
    x = _ffn(x, params["post"])
    emb = jnp.take(x, input_node_indices, axis=0)
    return emb @ params["out_W"] + params["out_bias"]

if __name__ == "__main__":
    import jax
    _d = setup_inputs()
    print(jax.jit(kernel)(*tuple(_d.values())))

</pallas_src>

<mosaic_0001>
#map = affine_map<(d0, d1) -> (0, 0)>
#map1 = affine_map<(d0, d1) -> (0)>
module attributes {stable_mosaic.version = 14 : i64} {
  func.func @body(%arg0: i32, %arg1: i32, %arg2: memref<10000x128xf32, #tpu.memory_space<hbm>>, %arg3: memref<1024xi32, #tpu.memory_space<hbm>>, %arg4: memref<1024x128xf32, #tpu.memory_space<hbm>>, %arg5: memref<32xi32, #tpu.memory_space<vmem>>, %arg6: memref<32x128xf32, #tpu.memory_space<vmem>>, %arg7: memref<!tpu.dma_semaphore, #tpu.memory_space<semaphore_mem>>) attributes {dimension_semantics = [#tpu.dimension_semantics<core_parallel>, #tpu.dimension_semantics<subcore_parallel>], iteration_bounds = array<i64: 2, 16>, scalar_prefetch = 0 : i64, scratch_operands = 3 : i64, tpu.core_type = #tpu.core_type<sc_vector_subcore>, window_params = [{transform_indices = #map}, {transform_indices = #map1}, {transform_indices = #map}]} {
    %mul3A = arith.constant 2 : i32
    %mul3A_0 = arith.muli %arg1, %mul3A : i32
    %add3A = arith.addi %mul3A_0, %arg0 : i32
    %mul3A_1 = arith.constant 32 : i32
    %mul3A_2 = arith.muli %add3A, %mul3A_1 : i32
    "tpu.region"() ({
      %run_scoped3A = tpu.sem_alloc : memref<!tpu.dma_semaphore, #tpu.memory_space<semaphore_mem>>
      %dma_start3A_7 = tpu.memref_slice %arg3[%mul3A_2] : memref<1024xi32, #tpu.memory_space<hbm>> -> memref<32xi32, #tpu.memory_space<hbm>>
      %dma_start3A_8 = tpu.memref_slice %arg3[%mul3A_2] : memref<1024xi32, #tpu.memory_space<hbm>> -> memref<32xi32, #tpu.memory_space<hbm>>
      tpu.enqueue_dma source(%dma_start3A_8 : memref<32xi32, #tpu.memory_space<hbm>>) target(%arg5 : memref<32xi32, #tpu.memory_space<vmem>>) target_semaphore(%run_scoped3A : memref<!tpu.dma_semaphore, #tpu.memory_space<semaphore_mem>>)
      %dma_wait3A_9 = tpu.memref_slice %arg3[%mul3A_2] : memref<1024xi32, #tpu.memory_space<hbm>> -> memref<32xi32, #tpu.memory_space<hbm>>
      %dma_wait3A_10 = tpu.memref_slice %arg3[%mul3A_2] : memref<1024xi32, #tpu.memory_space<hbm>> -> memref<32xi32, #tpu.memory_space<hbm>>
      tpu.wait_dma2 semaphore(%run_scoped3A : memref<!tpu.dma_semaphore, #tpu.memory_space<semaphore_mem>>) src(%dma_wait3A_10 : memref<32xi32, #tpu.memory_space<hbm>>) dst(%arg5 : memref<32xi32, #tpu.memory_space<vmem>>)
      tpu.yield
    }) : () -> ()
    %dma_start3A = arith.constant 0 : i32
    %dma_start3A_3 = arith.constant 0 : i32
    %dma_start3A_4 = tpu.memref_slice %arg2[%dma_start3A, %dma_start3A_3] : memref<10000x128xf32, #tpu.memory_space<hbm>> -> memref<10000x128xf32, #tpu.memory_space<hbm>>
    tpu.enqueue_indirect_dma source(%dma_start3A_4 : memref<10000x128xf32, #tpu.memory_space<hbm>>) target(%arg6 : memref<32x128xf32, #tpu.memory_space<vmem>>) offsets(%arg5 : memref<32xi32, #tpu.memory_space<vmem>>) semaphore(%arg7 : memref<!tpu.dma_semaphore, #tpu.memory_space<semaphore_mem>>)
    %dma_wait3A = arith.constant 0 : i32
    %dma_wait3A_5 = arith.constant 0 : i32
    %dma_wait3A_6 = tpu.memref_slice %arg2[%dma_wait3A, %dma_wait3A_5] : memref<10000x128xf32, #tpu.memory_space<hbm>> -> memref<10000x128xf32, #tpu.memory_space<hbm>>
    tpu.wait_indirect_dma semaphore(%arg7 : memref<!tpu.dma_semaphore, #tpu.memory_space<semaphore_mem>>) src(%dma_wait3A_6 : memref<10000x128xf32, #tpu.memory_space<hbm>>) dst(%arg6 : memref<32x128xf32, #tpu.memory_space<vmem>>)
    "tpu.region"() ({
      %run_scoped3A = tpu.sem_alloc : memref<!tpu.dma_semaphore, #tpu.memory_space<semaphore_mem>>
      %dma_start3A_7 = arith.constant 0 : i32
      %dma_start3A_8 = tpu.memref_slice %arg4[%mul3A_2, %dma_start3A_7] : memref<1024x128xf32, #tpu.memory_space<hbm>> -> memref<32x128xf32, #tpu.memory_space<hbm>>
      %dma_start3A_9 = arith.constant 0 : i32
      %dma_start3A_10 = tpu.memref_slice %arg4[%mul3A_2, %dma_start3A_9] : memref<1024x128xf32, #tpu.memory_space<hbm>> -> memref<32x128xf32, #tpu.memory_space<hbm>>
      tpu.enqueue_dma source(%arg6 : memref<32x128xf32, #tpu.memory_space<vmem>>) target(%dma_start3A_10 : memref<32x128xf32, #tpu.memory_space<hbm>>) target_semaphore(%run_scoped3A : memref<!tpu.dma_semaphore, #tpu.memory_space<semaphore_mem>>)
      %dma_wait3A_11 = arith.constant 0 : i32
      %dma_wait3A_12 = tpu.memref_slice %arg4[%mul3A_2, %dma_wait3A_11] : memref<1024x128xf32, #tpu.memory_space<hbm>> -> memref<32x128xf32, #tpu.memory_space<hbm>>
      %dma_wait3A_13 = arith.constant 0 : i32
      %dma_wait3A_14 = tpu.memref_slice %arg4[%mul3A_2, %dma_wait3A_13] : memref<1024x128xf32, #tpu.memory_space<hbm>> -> memref<32x128xf32, #tpu.memory_space<hbm>>
      tpu.wait_dma2 semaphore(%run_scoped3A : memref<!tpu.dma_semaphore, #tpu.memory_space<semaphore_mem>>) src(%arg6 : memref<32x128xf32, #tpu.memory_space<vmem>>) dst(%dma_wait3A_14 : memref<32x128xf32, #tpu.memory_space<hbm>>)
      tpu.yield
    }) : () -> ()
    return
  }
}

#map = affine_map<(d0, d1) -> (0, 0)>
#map1 = affine_map<(d0, d1) -> (0, 0, 0)>
module attributes {stable_mosaic.version = 14 : i64} {
  func.func @body(%arg0: i32, %arg1: i32, %arg2: memref<10000x128xf32, #tpu.memory_space<hbm>>, %arg3: memref<2560x128xi32, #tpu.memory_space<hbm>>, %arg4: memref<2560x128xi32, #tpu.memory_space<hbm>>, %arg5: memref<632x128xf32, #tpu.memory_space<hbm>>, %arg6: memref<2x10112x128xf32, #tpu.memory_space<hbm>>, %arg7: memref<80x128xi32, #tpu.memory_space<vmem>>, %arg8: memref<80x128xi32, #tpu.memory_space<vmem>>, %arg9: memref<128x128xf32, #tpu.memory_space<vmem>>, %arg10: memref<10112x128xf32, #tpu.memory_space<vmem_shared>>, %arg11: memref<!tpu.dma_semaphore, #tpu.memory_space<semaphore_mem>>) attributes {dimension_semantics = [#tpu.dimension_semantics<core_parallel>, #tpu.dimension_semantics<subcore_parallel>], iteration_bounds = array<i64: 2, 16>, scalar_prefetch = 0 : i64, scratch_operands = 5 : i64, tpu.core_type = #tpu.core_type<sc_vector_subcore>, window_params = [{transform_indices = #map}, {transform_indices = #map}, {transform_indices = #map}, {transform_indices = #map}, {transform_indices = #map1}]} {
    %mul3A = arith.constant 2 : i32
    %mul3A_0 = arith.muli %arg1, %mul3A : i32
    %add3A = arith.addi %mul3A_0, %arg0 : i32
    %mul3A_1 = arith.constant 80 : i32
    %mul3A_2 = arith.muli %add3A, %mul3A_1 : i32
    "tpu.region"() ({
      %run_scoped3A = tpu.sem_alloc : memref<!tpu.dma_semaphore, #tpu.memory_space<semaphore_mem>>
      %dma_start3A = arith.constant 0 : i32
      %dma_start3A_17 = tpu.memref_slice %arg3[%mul3A_2, %dma_start3A] : memref<2560x128xi32, #tpu.memory_space<hbm>> -> memref<80x128xi32, #tpu.memory_space<hbm>>
      %dma_start3A_18 = arith.constant 0 : i32
      %dma_start3A_19 = tpu.memref_slice %arg3[%mul3A_2, %dma_start3A_18] : memref<2560x128xi32, #tpu.memory_space<hbm>> -> memref<80x128xi32, #tpu.memory_space<hbm>>
      tpu.enqueue_dma source(%dma_start3A_19 : memref<80x128xi32, #tpu.memory_space<hbm>>) target(%arg7 : memref<80x128xi32, #tpu.memory_space<vmem>>) target_semaphore(%run_scoped3A : memref<!tpu.dma_semaphore, #tpu.memory_space<semaphore_mem>>)
      %dma_wait3A = arith.constant 0 : i32
      %dma_wait3A_20 = tpu.memref_slice %arg3[%mul3A_2, %dma_wait3A] : memref<2560x128xi32, #tpu.memory_space<hbm>> -> memref<80x128xi32, #tpu.memory_space<hbm>>
      %dma_wait3A_21 = arith.constant 0 : i32
      %dma_wait3A_22 = tpu.memref_slice %arg3[%mul3A_2, %dma_wait3A_21] : memref<2560x128xi32, #tpu.memory_space<hbm>> -> memref<80x128xi32, #tpu.memory_space<hbm>>
      tpu.wait_dma2 semaphore(%run_scoped3A : memref<!tpu.dma_semaphore, #tpu.memory_space<semaphore_mem>>) src(%dma_wait3A_22 : memref<80x128xi32, #tpu.memory_space<hbm>>) dst(%arg7 : memref<80x128xi32, #tpu.memory_space<vmem>>)
      tpu.yield
    }) : () -> ()
    %mul3A_3 = arith.constant 80 : i32
    %mul3A_4 = arith.muli %add3A, %mul3A_3 : i32
    "tpu.region"() ({
      %run_scoped3A = tpu.sem_alloc : memref<!tpu.dma_semaphore, #tpu.memory_space<semaphore_mem>>
      %dma_start3A = arith.constant 0 : i32
      %dma_start3A_17 = tpu.memref_slice %arg4[%mul3A_4, %dma_start3A] : memref<2560x128xi32, #tpu.memory_space<hbm>> -> memref<80x128xi32, #tpu.memory_space<hbm>>
      %dma_start3A_18 = arith.constant 0 : i32
      %dma_start3A_19 = tpu.memref_slice %arg4[%mul3A_4, %dma_start3A_18] : memref<2560x128xi32, #tpu.memory_space<hbm>> -> memref<80x128xi32, #tpu.memory_space<hbm>>
      tpu.enqueue_dma source(%dma_start3A_19 : memref<80x128xi32, #tpu.memory_space<hbm>>) target(%arg8 : memref<80x128xi32, #tpu.memory_space<vmem>>) target_semaphore(%run_scoped3A : memref<!tpu.dma_semaphore, #tpu.memory_space<semaphore_mem>>)
      %dma_wait3A = arith.constant 0 : i32
      %dma_wait3A_20 = tpu.memref_slice %arg4[%mul3A_4, %dma_wait3A] : memref<2560x128xi32, #tpu.memory_space<hbm>> -> memref<80x128xi32, #tpu.memory_space<hbm>>
      %dma_wait3A_21 = arith.constant 0 : i32
      %dma_wait3A_22 = tpu.memref_slice %arg4[%mul3A_4, %dma_wait3A_21] : memref<2560x128xi32, #tpu.memory_space<hbm>> -> memref<80x128xi32, #tpu.memory_space<hbm>>
      tpu.wait_dma2 semaphore(%run_scoped3A : memref<!tpu.dma_semaphore, #tpu.memory_space<semaphore_mem>>) src(%dma_wait3A_22 : memref<80x128xi32, #tpu.memory_space<hbm>>) dst(%arg8 : memref<80x128xi32, #tpu.memory_space<vmem>>)
      tpu.yield
    }) : () -> ()
    %mul3A_5 = arith.constant 632 : i32
    %mul3A_6 = arith.muli %arg1, %mul3A_5 : i32
    "tpu.region"() ({
      %run_scoped3A = tpu.sem_alloc : memref<!tpu.dma_semaphore, #tpu.memory_space<semaphore_mem>>
      %dma_start3A = arith.constant 0 : i32
      %dma_start3A_17 = tpu.memref_slice %arg10[%mul3A_6, %dma_start3A] : memref<10112x128xf32, #tpu.memory_space<vmem_shared>> -> memref<632x128xf32, #tpu.memory_space<vmem_shared>>
      tpu.enqueue_dma source(%arg5 : memref<632x128xf32, #tpu.memory_space<hbm>>) target(%dma_start3A_17 : memref<632x128xf32, #tpu.memory_space<vmem_shared>>) target_semaphore(%run_scoped3A : memref<!tpu.dma_semaphore, #tpu.memory_space<semaphore_mem>>)
      %dma_wait3A = arith.constant 0 : i32
      %dma_wait3A_18 = tpu.memref_slice %arg10[%mul3A_6, %dma_wait3A] : memref<10112x128xf32, #tpu.memory_space<vmem_shared>> -> memref<632x128xf32, #tpu.memory_space<vmem_shared>>
      tpu.wait_dma2 semaphore(%run_scoped3A : memref<!tpu.dma_semaphore, #tpu.memory_space<semaphore_mem>>) src(%arg5 : memref<632x128xf32, #tpu.memory_space<hbm>>) dst(%dma_wait3A_18 : memref<632x128xf32, #tpu.memory_space<vmem_shared>>)
      tpu.yield
    }) : () -> ()
    %barrier3A = arith.constant 0 : index
    tpu.barrier barrier_id(%barrier3A)
    %scan3A = arith.constant 0 : i32
    %scan3A_7 = arith.constant 0 : i32
    %scan3A_8 = arith.constant 80 : i32
    %scan3A_9 = arith.addi %scan3A_7, %scan3A_8 : i32
    %scan3A_10 = arith.constant 1 : i32
    scf.for %scan3A_17 = %scan3A_7 to %scan3A_9 step %scan3A_10  : i32 {
      %dma_start3A = arith.constant 0 : i32
      %dma_start3A_18 = tpu.memref_slice %arg7[%scan3A_17, %dma_start3A] : memref<80x128xi32, #tpu.memory_space<vmem>> -> memref<1x128xi32, #tpu.memory_space<vmem>>
      %dma_start3A_19 = tpu.memref_squeeze %dma_start3A_18 : memref<1x128xi32, #tpu.memory_space<vmem>> -> memref<128xi32, #tpu.memory_space<vmem>>
      %dma_start3A_20 = arith.constant 0 : i32
      %dma_start3A_21 = arith.constant 0 : i32
      %dma_start3A_22 = tpu.memref_slice %arg2[%dma_start3A_20, %dma_start3A_21] : memref<10000x128xf32, #tpu.memory_space<hbm>> -> memref<10000x128xf32, #tpu.memory_space<hbm>>
      tpu.enqueue_indirect_dma source(%dma_start3A_22 : memref<10000x128xf32, #tpu.memory_space<hbm>>) target(%arg9 : memref<128x128xf32, #tpu.memory_space<vmem>>) offsets(%dma_start3A_19 : memref<128xi32, #tpu.memory_space<vmem>>) semaphore(%arg11 : memref<!tpu.dma_semaphore, #tpu.memory_space<semaphore_mem>>)
      %dma_wait3A = arith.constant 0 : i32
      %dma_wait3A_23 = tpu.memref_slice %arg7[%scan3A_17, %dma_wait3A] : memref<80x128xi32, #tpu.memory_space<vmem>> -> memref<1x128xi32, #tpu.memory_space<vmem>>
      %dma_wait3A_24 = tpu.memref_squeeze %dma_wait3A_23 : memref<1x128xi32, #tpu.memory_space<vmem>> -> memref<128xi32, #tpu.memory_space<vmem>>
      %dma_wait3A_25 = arith.constant 0 : i32
      %dma_wait3A_26 = arith.constant 0 : i32
      %dma_wait3A_27 = tpu.memref_slice %arg2[%dma_wait3A_25, %dma_wait3A_26] : memref<10000x128xf32, #tpu.memory_space<hbm>> -> memref<10000x128xf32, #tpu.memory_space<hbm>>
      tpu.wait_indirect_dma semaphore(%arg11 : memref<!tpu.dma_semaphore, #tpu.memory_space<semaphore_mem>>) src(%dma_wait3A_27 : memref<10000x128xf32, #tpu.memory_space<hbm>>) dst(%arg9 : memref<128x128xf32, #tpu.memory_space<vmem>>)
      "tpu.region"() ({
        %run_scoped3A = tpu.sem_alloc : memref<!tpu.dma_semaphore, #tpu.memory_space<semaphore_mem>>
        %dma_start3A_28 = arith.constant 0 : i32
        %dma_start3A_29 = tpu.memref_slice %arg8[%scan3A_17, %dma_start3A_28] : memref<80x128xi32, #tpu.memory_space<vmem>> -> memref<1x128xi32, #tpu.memory_space<vmem>>
        %dma_start3A_30 = tpu.memref_squeeze %dma_start3A_29 : memref<1x128xi32, #tpu.memory_space<vmem>> -> memref<128xi32, #tpu.memory_space<vmem>>
        %dma_start3A_31 = arith.constant 0 : i32
        %dma_start3A_32 = arith.constant 0 : i32
        %dma_start3A_33 = tpu.memref_slice %arg10[%dma_start3A_31, %dma_start3A_32] : memref<10112x128xf32, #tpu.memory_space<vmem_shared>> -> memref<10112x128xf32, #tpu.memory_space<vmem_shared>>
        tpu.enqueue_indirect_dma source(%arg9 : memref<128x128xf32, #tpu.memory_space<vmem>>) target(%dma_start3A_33 : memref<10112x128xf32, #tpu.memory_space<vmem_shared>>) offsets(%dma_start3A_30 : memref<128xi32, #tpu.memory_space<vmem>>) semaphore(%run_scoped3A : memref<!tpu.dma_semaphore, #tpu.memory_space<semaphore_mem>>) {add = true}
        %dma_wait3A_34 = arith.constant 0 : i32
        %dma_wait3A_35 = tpu.memref_slice %arg8[%scan3A_17, %dma_wait3A_34] : memref<80x128xi32, #tpu.memory_space<vmem>> -> memref<1x128xi32, #tpu.memory_space<vmem>>
        %dma_wait3A_36 = tpu.memref_squeeze %dma_wait3A_35 : memref<1x128xi32, #tpu.memory_space<vmem>> -> memref<128xi32, #tpu.memory_space<vmem>>
        %dma_wait3A_37 = arith.constant 0 : i32
        %dma_wait3A_38 = arith.constant 0 : i32
        %dma_wait3A_39 = tpu.memref_slice %arg10[%dma_wait3A_37, %dma_wait3A_38] : memref<10112x128xf32, #tpu.memory_space<vmem_shared>> -> memref<10112x128xf32, #tpu.memory_space<vmem_shared>>
        tpu.wait_indirect_dma semaphore(%run_scoped3A : memref<!tpu.dma_semaphore, #tpu.memory_space<semaphore_mem>>) src(%arg9 : memref<128x128xf32, #tpu.memory_space<vmem>>) dst(%dma_wait3A_39 : memref<10112x128xf32, #tpu.memory_space<vmem_shared>>)
        tpu.yield
      }) : () -> ()
    }
    %scan3A_11 = arith.constant 80 : i32
    %barrier3A_12 = arith.constant 0 : index
    tpu.barrier barrier_id(%barrier3A_12)
    %mul3A_13 = arith.constant 632 : i32
    %mul3A_14 = arith.muli %arg1, %mul3A_13 : i32
    %mul3A_15 = arith.constant 632 : i32
    %mul3A_16 = arith.muli %arg1, %mul3A_15 : i32
    "tpu.region"() ({
      %run_scoped3A = tpu.sem_alloc : memref<!tpu.dma_semaphore, #tpu.memory_space<semaphore_mem>>
      %dma_start3A = arith.constant 0 : i32
      %dma_start3A_17 = tpu.memref_slice %arg6[%arg0, %mul3A_16, %dma_start3A] : memref<2x10112x128xf32, #tpu.memory_space<hbm>> -> memref<1x632x128xf32, #tpu.memory_space<hbm>>
      %dma_start3A_18 = tpu.memref_squeeze %dma_start3A_17 : memref<1x632x128xf32, #tpu.memory_space<hbm>> -> memref<632x128xf32, #tpu.memory_space<hbm>>
      %dma_start3A_19 = arith.constant 0 : i32
      %dma_start3A_20 = tpu.memref_slice %arg10[%mul3A_14, %dma_start3A_19] : memref<10112x128xf32, #tpu.memory_space<vmem_shared>> -> memref<632x128xf32, #tpu.memory_space<vmem_shared>>
      tpu.enqueue_dma source(%dma_start3A_20 : memref<632x128xf32, #tpu.memory_space<vmem_shared>>) target(%dma_start3A_18 : memref<632x128xf32, #tpu.memory_space<hbm>>) target_semaphore(%run_scoped3A : memref<!tpu.dma_semaphore, #tpu.memory_space<semaphore_mem>>)
      %dma_wait3A = arith.constant 0 : i32
      %dma_wait3A_21 = tpu.memref_slice %arg6[%arg0, %mul3A_16, %dma_wait3A] : memref<2x10112x128xf32, #tpu.memory_space<hbm>> -> memref<1x632x128xf32, #tpu.memory_space<hbm>>
      %dma_wait3A_22 = tpu.memref_squeeze %dma_wait3A_21 : memref<1x632x128xf32, #tpu.memory_space<hbm>> -> memref<632x128xf32, #tpu.memory_space<hbm>>
      %dma_wait3A_23 = arith.constant 0 : i32
      %dma_wait3A_24 = tpu.memref_slice %arg10[%mul3A_14, %dma_wait3A_23] : memref<10112x128xf32, #tpu.memory_space<vmem_shared>> -> memref<632x128xf32, #tpu.memory_space<vmem_shared>>
      tpu.wait_dma2 semaphore(%run_scoped3A : memref<!tpu.dma_semaphore, #tpu.memory_space<semaphore_mem>>) src(%dma_wait3A_24 : memref<632x128xf32, #tpu.memory_space<vmem_shared>>) dst(%dma_wait3A_22 : memref<632x128xf32, #tpu.memory_space<hbm>>)
      tpu.yield
    }) : () -> ()
    return
  }
}

#map = affine_map<(d0, d1) -> (0, 0)>
#map1 = affine_map<(d0, d1) -> (0, 0, 0)>
module attributes {stable_mosaic.version = 14 : i64} {
  func.func @body(%arg0: i32, %arg1: i32, %arg2: memref<10000x128xf32, #tpu.memory_space<hbm>>, %arg3: memref<2560x128xi32, #tpu.memory_space<hbm>>, %arg4: memref<2560x128xi32, #tpu.memory_space<hbm>>, %arg5: memref<632x128xf32, #tpu.memory_space<hbm>>, %arg6: memref<2x10112x128xf32, #tpu.memory_space<hbm>>, %arg7: memref<80x128xi32, #tpu.memory_space<vmem>>, %arg8: memref<80x128xi32, #tpu.memory_space<vmem>>, %arg9: memref<128x128xf32, #tpu.memory_space<vmem>>, %arg10: memref<10112x128xf32, #tpu.memory_space<vmem_shared>>, %arg11: memref<!tpu.dma_semaphore, #tpu.memory_space<semaphore_mem>>) attributes {dimension_semantics = [#tpu.dimension_semantics<core_parallel>, #tpu.dimension_semantics<subcore_parallel>], iteration_bounds = array<i64: 2, 16>, scalar_prefetch = 0 : i64, scratch_operands = 5 : i64, tpu.core_type = #tpu.core_type<sc_vector_subcore>, window_params = [{transform_indices = #map}, {transform_indices = #map}, {transform_indices = #map}, {transform_indices = #map}, {transform_indices = #map1}]} {
    %mul3A = arith.constant 2 : i32
    %mul3A_0 = arith.muli %arg1, %mul3A : i32
    %add3A = arith.addi %mul3A_0, %arg0 : i32
    %mul3A_1 = arith.constant 80 : i32
    %mul3A_2 = arith.muli %add3A, %mul3A_1 : i32
    "tpu.region"() ({
      %run_scoped3A = tpu.sem_alloc : memref<!tpu.dma_semaphore, #tpu.memory_space<semaphore_mem>>
      %dma_start3A = arith.constant 0 : i32
      %dma_start3A_17 = tpu.memref_slice %arg3[%mul3A_2, %dma_start3A] : memref<2560x128xi32, #tpu.memory_space<hbm>> -> memref<80x128xi32, #tpu.memory_space<hbm>>
      %dma_start3A_18 = arith.constant 0 : i32
      %dma_start3A_19 = tpu.memref_slice %arg3[%mul3A_2, %dma_start3A_18] : memref<2560x128xi32, #tpu.memory_space<hbm>> -> memref<80x128xi32, #tpu.memory_space<hbm>>
      tpu.enqueue_dma source(%dma_start3A_19 : memref<80x128xi32, #tpu.memory_space<hbm>>) target(%arg7 : memref<80x128xi32, #tpu.memory_space<vmem>>) target_semaphore(%run_scoped3A : memref<!tpu.dma_semaphore, #tpu.memory_space<semaphore_mem>>)
      %dma_wait3A = arith.constant 0 : i32
      %dma_wait3A_20 = tpu.memref_slice %arg3[%mul3A_2, %dma_wait3A] : memref<2560x128xi32, #tpu.memory_space<hbm>> -> memref<80x128xi32, #tpu.memory_space<hbm>>
      %dma_wait3A_21 = arith.constant 0 : i32
      %dma_wait3A_22 = tpu.memref_slice %arg3[%mul3A_2, %dma_wait3A_21] : memref<2560x128xi32, #tpu.memory_space<hbm>> -> memref<80x128xi32, #tpu.memory_space<hbm>>
      tpu.wait_dma2 semaphore(%run_scoped3A : memref<!tpu.dma_semaphore, #tpu.memory_space<semaphore_mem>>) src(%dma_wait3A_22 : memref<80x128xi32, #tpu.memory_space<hbm>>) dst(%arg7 : memref<80x128xi32, #tpu.memory_space<vmem>>)
      tpu.yield
    }) : () -> ()
    %mul3A_3 = arith.constant 80 : i32
    %mul3A_4 = arith.muli %add3A, %mul3A_3 : i32
    "tpu.region"() ({
      %run_scoped3A = tpu.sem_alloc : memref<!tpu.dma_semaphore, #tpu.memory_space<semaphore_mem>>
      %dma_start3A = arith.constant 0 : i32
      %dma_start3A_17 = tpu.memref_slice %arg4[%mul3A_4, %dma_start3A] : memref<2560x128xi32, #tpu.memory_space<hbm>> -> memref<80x128xi32, #tpu.memory_space<hbm>>
      %dma_start3A_18 = arith.constant 0 : i32
      %dma_start3A_19 = tpu.memref_slice %arg4[%mul3A_4, %dma_start3A_18] : memref<2560x128xi32, #tpu.memory_space<hbm>> -> memref<80x128xi32, #tpu.memory_space<hbm>>
      tpu.enqueue_dma source(%dma_start3A_19 : memref<80x128xi32, #tpu.memory_space<hbm>>) target(%arg8 : memref<80x128xi32, #tpu.memory_space<vmem>>) target_semaphore(%run_scoped3A : memref<!tpu.dma_semaphore, #tpu.memory_space<semaphore_mem>>)
      %dma_wait3A = arith.constant 0 : i32
      %dma_wait3A_20 = tpu.memref_slice %arg4[%mul3A_4, %dma_wait3A] : memref<2560x128xi32, #tpu.memory_space<hbm>> -> memref<80x128xi32, #tpu.memory_space<hbm>>
      %dma_wait3A_21 = arith.constant 0 : i32
      %dma_wait3A_22 = tpu.memref_slice %arg4[%mul3A_4, %dma_wait3A_21] : memref<2560x128xi32, #tpu.memory_space<hbm>> -> memref<80x128xi32, #tpu.memory_space<hbm>>
      tpu.wait_dma2 semaphore(%run_scoped3A : memref<!tpu.dma_semaphore, #tpu.memory_space<semaphore_mem>>) src(%dma_wait3A_22 : memref<80x128xi32, #tpu.memory_space<hbm>>) dst(%arg8 : memref<80x128xi32, #tpu.memory_space<vmem>>)
      tpu.yield
    }) : () -> ()
    %mul3A_5 = arith.constant 632 : i32
    %mul3A_6 = arith.muli %arg1, %mul3A_5 : i32
    "tpu.region"() ({
      %run_scoped3A = tpu.sem_alloc : memref<!tpu.dma_semaphore, #tpu.memory_space<semaphore_mem>>
      %dma_start3A = arith.constant 0 : i32
      %dma_start3A_17 = tpu.memref_slice %arg10[%mul3A_6, %dma_start3A] : memref<10112x128xf32, #tpu.memory_space<vmem_shared>> -> memref<632x128xf32, #tpu.memory_space<vmem_shared>>
      tpu.enqueue_dma source(%arg5 : memref<632x128xf32, #tpu.memory_space<hbm>>) target(%dma_start3A_17 : memref<632x128xf32, #tpu.memory_space<vmem_shared>>) target_semaphore(%run_scoped3A : memref<!tpu.dma_semaphore, #tpu.memory_space<semaphore_mem>>)
      %dma_wait3A = arith.constant 0 : i32
      %dma_wait3A_18 = tpu.memref_slice %arg10[%mul3A_6, %dma_wait3A] : memref<10112x128xf32, #tpu.memory_space<vmem_shared>> -> memref<632x128xf32, #tpu.memory_space<vmem_shared>>
      tpu.wait_dma2 semaphore(%run_scoped3A : memref<!tpu.dma_semaphore, #tpu.memory_space<semaphore_mem>>) src(%arg5 : memref<632x128xf32, #tpu.memory_space<hbm>>) dst(%dma_wait3A_18 : memref<632x128xf32, #tpu.memory_space<vmem_shared>>)
      tpu.yield
    }) : () -> ()
    %barrier3A = arith.constant 0 : index
    tpu.barrier barrier_id(%barrier3A)
    %scan3A = arith.constant 0 : i32
    %scan3A_7 = arith.constant 0 : i32
    %scan3A_8 = arith.constant 80 : i32
    %scan3A_9 = arith.addi %scan3A_7, %scan3A_8 : i32
    %scan3A_10 = arith.constant 1 : i32
    scf.for %scan3A_17 = %scan3A_7 to %scan3A_9 step %scan3A_10  : i32 {
      %dma_start3A = arith.constant 0 : i32
      %dma_start3A_18 = tpu.memref_slice %arg7[%scan3A_17, %dma_start3A] : memref<80x128xi32, #tpu.memory_space<vmem>> -> memref<1x128xi32, #tpu.memory_space<vmem>>
      %dma_start3A_19 = tpu.memref_squeeze %dma_start3A_18 : memref<1x128xi32, #tpu.memory_space<vmem>> -> memref<128xi32, #tpu.memory_space<vmem>>
      %dma_start3A_20 = arith.constant 0 : i32
      %dma_start3A_21 = arith.constant 0 : i32
      %dma_start3A_22 = tpu.memref_slice %arg2[%dma_start3A_20, %dma_start3A_21] : memref<10000x128xf32, #tpu.memory_space<hbm>> -> memref<10000x128xf32, #tpu.memory_space<hbm>>
      tpu.enqueue_indirect_dma source(%dma_start3A_22 : memref<10000x128xf32, #tpu.memory_space<hbm>>) target(%arg9 : memref<128x128xf32, #tpu.memory_space<vmem>>) offsets(%dma_start3A_19 : memref<128xi32, #tpu.memory_space<vmem>>) semaphore(%arg11 : memref<!tpu.dma_semaphore, #tpu.memory_space<semaphore_mem>>)
      %dma_wait3A = arith.constant 0 : i32
      %dma_wait3A_23 = tpu.memref_slice %arg7[%scan3A_17, %dma_wait3A] : memref<80x128xi32, #tpu.memory_space<vmem>> -> memref<1x128xi32, #tpu.memory_space<vmem>>
      %dma_wait3A_24 = tpu.memref_squeeze %dma_wait3A_23 : memref<1x128xi32, #tpu.memory_space<vmem>> -> memref<128xi32, #tpu.memory_space<vmem>>
      %dma_wait3A_25 = arith.constant 0 : i32
      %dma_wait3A_26 = arith.constant 0 : i32
      %dma_wait3A_27 = tpu.memref_slice %arg2[%dma_wait3A_25, %dma_wait3A_26] : memref<10000x128xf32, #tpu.memory_space<hbm>> -> memref<10000x128xf32, #tpu.memory_space<hbm>>
      tpu.wait_indirect_dma semaphore(%arg11 : memref<!tpu.dma_semaphore, #tpu.memory_space<semaphore_mem>>) src(%dma_wait3A_27 : memref<10000x128xf32, #tpu.memory_space<hbm>>) dst(%arg9 : memref<128x128xf32, #tpu.memory_space<vmem>>)
      "tpu.region"() ({
        %run_scoped3A = tpu.sem_alloc : memref<!tpu.dma_semaphore, #tpu.memory_space<semaphore_mem>>
        %dma_start3A_28 = arith.constant 0 : i32
        %dma_start3A_29 = tpu.memref_slice %arg8[%scan3A_17, %dma_start3A_28] : memref<80x128xi32, #tpu.memory_space<vmem>> -> memref<1x128xi32, #tpu.memory_space<vmem>>
        %dma_start3A_30 = tpu.memref_squeeze %dma_start3A_29 : memref<1x128xi32, #tpu.memory_space<vmem>> -> memref<128xi32, #tpu.memory_space<vmem>>
        %dma_start3A_31 = arith.constant 0 : i32
        %dma_start3A_32 = arith.constant 0 : i32
        %dma_start3A_33 = tpu.memref_slice %arg10[%dma_start3A_31, %dma_start3A_32] : memref<10112x128xf32, #tpu.memory_space<vmem_shared>> -> memref<10112x128xf32, #tpu.memory_space<vmem_shared>>
        tpu.enqueue_indirect_dma source(%arg9 : memref<128x128xf32, #tpu.memory_space<vmem>>) target(%dma_start3A_33 : memref<10112x128xf32, #tpu.memory_space<vmem_shared>>) offsets(%dma_start3A_30 : memref<128xi32, #tpu.memory_space<vmem>>) semaphore(%run_scoped3A : memref<!tpu.dma_semaphore, #tpu.memory_space<semaphore_mem>>) {add = true}
        %dma_wait3A_34 = arith.constant 0 : i32
        %dma_wait3A_35 = tpu.memref_slice %arg8[%scan3A_17, %dma_wait3A_34] : memref<80x128xi32, #tpu.memory_space<vmem>> -> memref<1x128xi32, #tpu.memory_space<vmem>>
        %dma_wait3A_36 = tpu.memref_squeeze %dma_wait3A_35 : memref<1x128xi32, #tpu.memory_space<vmem>> -> memref<128xi32, #tpu.memory_space<vmem>>
        %dma_wait3A_37 = arith.constant 0 : i32
        %dma_wait3A_38 = arith.constant 0 : i32
        %dma_wait3A_39 = tpu.memref_slice %arg10[%dma_wait3A_37, %dma_wait3A_38] : memref<10112x128xf32, #tpu.memory_space<vmem_shared>> -> memref<10112x128xf32, #tpu.memory_space<vmem_shared>>
        tpu.wait_indirect_dma semaphore(%run_scoped3A : memref<!tpu.dma_semaphore, #tpu.memory_space<semaphore_mem>>) src(%arg9 : memref<128x128xf32, #tpu.memory_space<vmem>>) dst(%dma_wait3A_39 : memref<10112x128xf32, #tpu.memory_space<vmem_shared>>)
        tpu.yield
      }) : () -> ()
    }
    %scan3A_11 = arith.constant 80 : i32
    %barrier3A_12 = arith.constant 0 : index
    tpu.barrier barrier_id(%barrier3A_12)
    %mul3A_13 = arith.constant 632 : i32
    %mul3A_14 = arith.muli %arg1, %mul3A_13 : i32
    %mul3A_15 = arith.constant 632 : i32
    %mul3A_16 = arith.muli %arg1, %mul3A_15 : i32
    "tpu.region"() ({
      %run_scoped3A = tpu.sem_alloc : memref<!tpu.dma_semaphore, #tpu.memory_space<semaphore_mem>>
      %dma_start3A = arith.constant 0 : i32
      %dma_start3A_17 = tpu.memref_slice %arg6[%arg0, %mul3A_16, %dma_start3A] : memref<2x10112x128xf32, #tpu.memory_space<hbm>> -> memref<1x632x128xf32, #tpu.memory_space<hbm>>
      %dma_start3A_18 = tpu.memref_squeeze %dma_start3A_17 : memref<1x632x128xf32, #tpu.memory_space<hbm>> -> memref<632x128xf32, #tpu.memory_space<hbm>>
      %dma_start3A_19 = arith.constant 0 : i32
      %dma_start3A_20 = tpu.memref_slice %arg10[%mul3A_14, %dma_start3A_19] : memref<10112x128xf32, #tpu.memory_space<vmem_shared>> -> memref<632x128xf32, #tpu.memory_space<vmem_shared>>
      tpu.enqueue_dma source(%dma_start3A_20 : memref<632x128xf32, #tpu.memory_space<vmem_shared>>) target(%dma_start3A_18 : memref<632x128xf32, #tpu.memory_space<hbm>>) target_semaphore(%run_scoped3A : memref<!tpu.dma_semaphore, #tpu.memory_space<semaphore_mem>>)
      %dma_wait3A = arith.constant 0 : i32
      %dma_wait3A_21 = tpu.memref_slice %arg6[%arg0, %mul3A_16, %dma_wait3A] : memref<2x10112x128xf32, #tpu.memory_space<hbm>> -> memref<1x632x128xf32, #tpu.memory_space<hbm>>
      %dma_wait3A_22 = tpu.memref_squeeze %dma_wait3A_21 : memref<1x632x128xf32, #tpu.memory_space<hbm>> -> memref<632x128xf32, #tpu.memory_space<hbm>>
      %dma_wait3A_23 = arith.constant 0 : i32
      %dma_wait3A_24 = tpu.memref_slice %arg10[%mul3A_14, %dma_wait3A_23] : memref<10112x128xf32, #tpu.memory_space<vmem_shared>> -> memref<632x128xf32, #tpu.memory_space<vmem_shared>>
      tpu.wait_dma2 semaphore(%run_scoped3A : memref<!tpu.dma_semaphore, #tpu.memory_space<semaphore_mem>>) src(%dma_wait3A_24 : memref<632x128xf32, #tpu.memory_space<vmem_shared>>) dst(%dma_wait3A_22 : memref<632x128xf32, #tpu.memory_space<hbm>>)
      tpu.yield
    }) : () -> ()
    return
  }
}

module attributes {stable_mosaic.version = 14 : i64} {
  func.func @_tc1_body(%arg0: i32, %arg1: memref<1000x128xf32, #tpu.memory_space<vmem>>, %arg2: memref<1x128xf32, #tpu.memory_space<vmem>>, %arg3: memref<1x128xf32, #tpu.memory_space<vmem>>, %arg4: memref<128x32xf32, #tpu.memory_space<vmem>>, %arg5: memref<1x32xf32, #tpu.memory_space<vmem>>, %arg6: memref<1x32xf32, #tpu.memory_space<vmem>>, %arg7: memref<1x32xf32, #tpu.memory_space<vmem>>, %arg8: memref<32x128xf32, #tpu.memory_space<vmem>>, %arg9: memref<1x128xf32, #tpu.memory_space<vmem>>, %arg10: memref<1000x32xf32, #tpu.memory_space<vmem>>, %arg11: memref<1000x128xf32, #tpu.memory_space<vmem>>) attributes {dimension_semantics = [#tpu.dimension_semantics<arbitrary>], iteration_bounds = array<i64: 10>, scalar_prefetch = 0 : i64, scratch_operands = 0 : i64, tpu.core_type = #tpu.core_type<tc>, window_params = [{transform_indices = @transform_0, window_bounds = array<i64: 1000, 128>}, {pipeline_mode = #tpu.pipeline_mode<synchronous>, transform_indices = @transform_1, window_bounds = array<i64: 1, 128>}, {pipeline_mode = #tpu.pipeline_mode<synchronous>, transform_indices = @transform_2, window_bounds = array<i64: 1, 128>}, {pipeline_mode = #tpu.pipeline_mode<synchronous>, transform_indices = @transform_3, window_bounds = array<i64: 128, 32>}, {pipeline_mode = #tpu.pipeline_mode<synchronous>, transform_indices = @transform_4, window_bounds = array<i64: 1, 32>}, {pipeline_mode = #tpu.pipeline_mode<synchronous>, transform_indices = @transform_5, window_bounds = array<i64: 1, 32>}, {pipeline_mode = #tpu.pipeline_mode<synchronous>, transform_indices = @transform_6, window_bounds = array<i64: 1, 32>}, {pipeline_mode = #tpu.pipeline_mode<synchronous>, transform_indices = @transform_7, window_bounds = array<i64: 32, 128>}, {pipeline_mode = #tpu.pipeline_mode<synchronous>, transform_indices = @transform_8, window_bounds = array<i64: 1, 128>}, {transform_indices = @transform_9, window_bounds = array<i64: 1000, 32>}, {transform_indices = @transform_10, window_bounds = array<i64: 1000, 128>}]} {
    %get3A = arith.constant 0 : index
    %get3A_0 = arith.constant 0 : index
    %get3A_1 = vector.load %arg1[%get3A, %get3A_0] : memref<1000x128xf32, #tpu.memory_space<vmem>>, vector<1000x128xf32>
    %get3A_2 = arith.constant 0 : index
    %get3A_3 = arith.constant 0 : index
    %get3A_4 = vector.load %arg2[%get3A_2, %get3A_3] : memref<1x128xf32, #tpu.memory_space<vmem>>, vector<1x128xf32>
    %mul3A = vector.broadcast %get3A_4 : vector<1x128xf32> to vector<1000x128xf32>
    %mul3A_5 = arith.mulf %get3A_1, %mul3A : vector<1000x128xf32>
    %get3A_6 = arith.constant 0 : index
    %get3A_7 = arith.constant 0 : index
    %get3A_8 = vector.load %arg3[%get3A_6, %get3A_7] : memref<1x128xf32, #tpu.memory_space<vmem>>, vector<1x128xf32>
    %add3A = vector.broadcast %get3A_8 : vector<1x128xf32> to vector<1000x128xf32>
    %add3A_9 = arith.addf %mul3A_5, %add3A : vector<1000x128xf32>
    %get3A_10 = arith.constant 0 : index
    %get3A_11 = arith.constant 0 : index
    %get3A_12 = vector.load %arg4[%get3A_10, %get3A_11] : memref<128x32xf32, #tpu.memory_space<vmem>>, vector<128x32xf32>
    %dot_general3A = arith.constant dense<0.000000e+00> : vector<1000x32xf32>
    %dot_general3A_13 = tpu.matmul %add3A_9, %get3A_12, %dot_general3A {dimension_numbers = #tpu.dot_dimension_numbers<[1], [0], [0], [1], [0, 0, 1, 1], [], []>, transpose_lhs_hint = false} : vector<1000x128xf32>, vector<128x32xf32>, vector<1000x32xf32> -> vector<1000x32xf32>
    %get3A_14 = arith.constant 0 : index
    %get3A_15 = arith.constant 0 : index
    %get3A_16 = vector.load %arg5[%get3A_14, %get3A_15] : memref<1x32xf32, #tpu.memory_space<vmem>>, vector<1x32xf32>
    %add3A_17 = vector.broadcast %get3A_16 : vector<1x32xf32> to vector<1000x32xf32>
    %add3A_18 = arith.addf %dot_general3A_13, %add3A_17 : vector<1000x32xf32>
    %integer_pow3A = arith.mulf %add3A_18, %add3A_18 : vector<1000x32xf32>
    %integer_pow3A_19 = arith.mulf %add3A_18, %integer_pow3A : vector<1000x32xf32>
    %mul3A_20 = arith.constant 4.471500e-02 : f32
    %mul3A_21 = vector.broadcast %mul3A_20 : f32 to vector<1000x32xf32>
    %mul3A_22 = arith.mulf %mul3A_21, %integer_pow3A_19 : vector<1000x32xf32>
    %add3A_23 = arith.addf %add3A_18, %mul3A_22 : vector<1000x32xf32>
    %mul3A_24 = arith.constant 0.797884583 : f32
    %mul3A_25 = vector.broadcast %mul3A_24 : f32 to vector<1000x32xf32>
    %mul3A_26 = arith.mulf %mul3A_25, %add3A_23 : vector<1000x32xf32>
    %tanh3A = math.tanh %mul3A_26 : vector<1000x32xf32>
    %add3A_27 = arith.constant 1.000000e+00 : f32
    %add3A_28 = vector.broadcast %add3A_27 : f32 to vector<1000x32xf32>
    %add3A_29 = arith.addf %add3A_28, %tanh3A : vector<1000x32xf32>
    %mul3A_30 = arith.constant 5.000000e-01 : f32
    %mul3A_31 = vector.broadcast %mul3A_30 : f32 to vector<1000x32xf32>
    %mul3A_32 = arith.mulf %mul3A_31, %add3A_29 : vector<1000x32xf32>
    %mul3A_33 = arith.mulf %add3A_18, %mul3A_32 : vector<1000x32xf32>
    %swap3A = arith.constant 0 : index
    %swap3A_34 = arith.constant 0 : index
    %swap3A_35 = vector.load %arg10[%swap3A, %swap3A_34] : memref<1000x32xf32, #tpu.memory_space<vmem>>, vector<1000x32xf32>
    tpu.vector_store %arg10[%swap3A, %swap3A_34], %mul3A_33 {strides = array<i32>} : memref<1000x32xf32, #tpu.memory_space<vmem>>, vector<1000x32xf32>,
    %get3A_36 = arith.constant 0 : index
    %get3A_37 = arith.constant 0 : index
    %get3A_38 = vector.load %arg6[%get3A_36, %get3A_37] : memref<1x32xf32, #tpu.memory_space<vmem>>, vector<1x32xf32>
    %mul3A_39 = vector.broadcast %get3A_38 : vector<1x32xf32> to vector<1000x32xf32>
    %mul3A_40 = arith.mulf %mul3A_33, %mul3A_39 : vector<1000x32xf32>
    %get3A_41 = arith.constant 0 : index
    %get3A_42 = arith.constant 0 : index
    %get3A_43 = vector.load %arg7[%get3A_41, %get3A_42] : memref<1x32xf32, #tpu.memory_space<vmem>>, vector<1x32xf32>
    %add3A_44 = vector.broadcast %get3A_43 : vector<1x32xf32> to vector<1000x32xf32>
    %add3A_45 = arith.addf %mul3A_40, %add3A_44 : vector<1000x32xf32>
    %get3A_46 = arith.constant 0 : index
    %get3A_47 = arith.constant 0 : index
    %get3A_48 = vector.load %arg8[%get3A_46, %get3A_47] : memref<32x128xf32, #tpu.memory_space<vmem>>, vector<32x128xf32>
    %dot_general3A_49 = arith.constant dense<0.000000e+00> : vector<1000x128xf32>
    %dot_general3A_50 = tpu.matmul %add3A_45, %get3A_48, %dot_general3A_49 {dimension_numbers = #tpu.dot_dimension_numbers<[1], [0], [0], [1], [0, 0, 1, 1], [], []>, transpose_lhs_hint = false} : vector<1000x32xf32>, vector<32x128xf32>, vector<1000x128xf32> -> vector<1000x128xf32>
    %get3A_51 = arith.constant 0 : index
    %get3A_52 = arith.constant 0 : index
    %get3A_53 = vector.load %arg9[%get3A_51, %get3A_52] : memref<1x128xf32, #tpu.memory_space<vmem>>, vector<1x128xf32>
    %add3A_54 = vector.broadcast %get3A_53 : vector<1x128xf32> to vector<1000x128xf32>
    %add3A_55 = arith.addf %dot_general3A_50, %add3A_54 : vector<1000x128xf32>
    %integer_pow3A_56 = arith.mulf %add3A_55, %add3A_55 : vector<1000x128xf32>
    %integer_pow3A_57 = arith.mulf %add3A_55, %integer_pow3A_56 : vector<1000x128xf32>
    %mul3A_58 = arith.constant 4.471500e-02 : f32
    %mul3A_59 = vector.broadcast %mul3A_58 : f32 to vector<1000x128xf32>
    %mul3A_60 = arith.mulf %mul3A_59, %integer_pow3A_57 : vector<1000x128xf32>
    %add3A_61 = arith.addf %add3A_55, %mul3A_60 : vector<1000x128xf32>
    %mul3A_62 = arith.constant 0.797884583 : f32
    %mul3A_63 = vector.broadcast %mul3A_62 : f32 to vector<1000x128xf32>
    %mul3A_64 = arith.mulf %mul3A_63, %add3A_61 : vector<1000x128xf32>
    %tanh3A_65 = math.tanh %mul3A_64 : vector<1000x128xf32>
    %add3A_66 = arith.constant 1.000000e+00 : f32
    %add3A_67 = vector.broadcast %add3A_66 : f32 to vector<1000x128xf32>
    %add3A_68 = arith.addf %add3A_67, %tanh3A_65 : vector<1000x128xf32>
    %mul3A_69 = arith.constant 5.000000e-01 : f32
    %mul3A_70 = vector.broadcast %mul3A_69 : f32 to vector<1000x128xf32>
    %mul3A_71 = arith.mulf %mul3A_70, %add3A_68 : vector<1000x128xf32>
    %mul3A_72 = arith.mulf %add3A_55, %mul3A_71 : vector<1000x128xf32>
    %iota3A = tpu.iota {dimensions = array<i32: 1>} : vector<1000x128xi32>
    %eq3A = arith.constant 32 : i32
    %eq3A_73 = vector.broadcast %eq3A : i32 to vector<1000x128xi32>
    %eq3A_74 = arith.cmpi eq, %iota3A, %eq3A_73 : vector<1000x128xi32>
    %jit3A = arith.constant 1.000000e+00 : f32
    %broadcast_in_dim3A = vector.broadcast %jit3A : f32 to vector<1000x128xf32>
    %select_n3A = arith.select %eq3A_74, %broadcast_in_dim3A, %mul3A_72 : vector<1000x128xi1>, vector<1000x128xf32>
    %swap3A_75 = arith.constant 0 : index
    %swap3A_76 = arith.constant 0 : index
    %swap3A_77 = vector.load %arg11[%swap3A_75, %swap3A_76] : memref<1000x128xf32, #tpu.memory_space<vmem>>, vector<1000x128xf32>
    tpu.vector_store %arg11[%swap3A_75, %swap3A_76], %select_n3A {strides = array<i32>} : memref<1000x128xf32, #tpu.memory_space<vmem>>, vector<1000x128xf32>,
    return
  }
  func.func @transform_0(%arg0: i32) -> (i32, i32) {
    %c0_i32 = arith.constant 0 : i32
    %c0_i32_0 = arith.constant 0 : i32
    return %arg0, %c0_i32 : i32, i32
  }
  func.func @transform_1(%arg0: i32) -> (i32, i32) {
    %c0_i32 = arith.constant 0 : i32
    %c0_i32_0 = arith.constant 0 : i32
    %c0_i32_1 = arith.constant 0 : i32
    return %c0_i32, %c0_i32_0 : i32, i32
  }
  func.func @transform_2(%arg0: i32) -> (i32, i32) {
    %c0_i32 = arith.constant 0 : i32
    %c0_i32_0 = arith.constant 0 : i32
    %c0_i32_1 = arith.constant 0 : i32
    return %c0_i32, %c0_i32_0 : i32, i32
  }
  func.func @transform_3(%arg0: i32) -> (i32, i32) {
    %c0_i32 = arith.constant 0 : i32
    %c0_i32_0 = arith.constant 0 : i32
    %c0_i32_1 = arith.constant 0 : i32
    return %c0_i32, %c0_i32_0 : i32, i32
  }
  func.func @transform_4(%arg0: i32) -> (i32, i32) {
    %c0_i32 = arith.constant 0 : i32
    %c0_i32_0 = arith.constant 0 : i32
    %c0_i32_1 = arith.constant 0 : i32
    return %c0_i32, %c0_i32_0 : i32, i32
  }
  func.func @transform_5(%arg0: i32) -> (i32, i32) {
    %c0_i32 = arith.constant 0 : i32
    %c0_i32_0 = arith.constant 0 : i32
    %c0_i32_1 = arith.constant 0 : i32
    return %c0_i32, %c0_i32_0 : i32, i32
  }
  func.func @transform_6(%arg0: i32) -> (i32, i32) {
    %c0_i32 = arith.constant 0 : i32
    %c0_i32_0 = arith.constant 0 : i32
    %c0_i32_1 = arith.constant 0 : i32
    return %c0_i32, %c0_i32_0 : i32, i32
  }
  func.func @transform_7(%arg0: i32) -> (i32, i32) {
    %c0_i32 = arith.constant 0 : i32
    %c0_i32_0 = arith.constant 0 : i32
    %c0_i32_1 = arith.constant 0 : i32
    return %c0_i32, %c0_i32_0 : i32, i32
  }
  func.func @transform_8(%arg0: i32) -> (i32, i32) {
    %c0_i32 = arith.constant 0 : i32
    %c0_i32_0 = arith.constant 0 : i32
    %c0_i32_1 = arith.constant 0 : i32
    return %c0_i32, %c0_i32_0 : i32, i32
  }
  func.func @transform_9(%arg0: i32) -> (i32, i32) {
    %c0_i32 = arith.constant 0 : i32
    %c0_i32_0 = arith.constant 0 : i32
    return %arg0, %c0_i32 : i32, i32
  }
  func.func @transform_10(%arg0: i32) -> (i32, i32) {
    %c0_i32 = arith.constant 0 : i32
    %c0_i32_0 = arith.constant 0 : i32
    return %arg0, %c0_i32 : i32, i32
  }
}

module attributes {stable_mosaic.version = 14 : i64} {
  func.func @_tc2_body(%arg0: i32, %arg1: memref<1000x32xf32, #tpu.memory_space<vmem>>, %arg2: memref<1000x128xf32, #tpu.memory_space<vmem>>, %arg3: memref<1000x128xf32, #tpu.memory_space<vmem>>, %arg4: memref<1x64xf32, #tpu.memory_space<vmem>>, %arg5: memref<1x64xf32, #tpu.memory_space<vmem>>, %arg6: memref<64x32xf32, #tpu.memory_space<vmem>>, %arg7: memref<1x32xf32, #tpu.memory_space<vmem>>, %arg8: memref<1x32xf32, #tpu.memory_space<vmem>>, %arg9: memref<1x32xf32, #tpu.memory_space<vmem>>, %arg10: memref<32x128xf32, #tpu.memory_space<vmem>>, %arg11: memref<1x128xf32, #tpu.memory_space<vmem>>, %arg12: memref<1000x32xf32, #tpu.memory_space<vmem>>, %arg13: memref<1000x128xf32, #tpu.memory_space<vmem>>) attributes {dimension_semantics = [#tpu.dimension_semantics<arbitrary>], iteration_bounds = array<i64: 10>, scalar_prefetch = 0 : i64, scratch_operands = 0 : i64, tpu.core_type = #tpu.core_type<tc>, window_params = [{transform_indices = @transform_0, window_bounds = array<i64: 1000, 32>}, {transform_indices = @transform_1, window_bounds = array<i64: 1000, 128>}, {transform_indices = @transform_2, window_bounds = array<i64: 1000, 128>}, {pipeline_mode = #tpu.pipeline_mode<synchronous>, transform_indices = @transform_3, window_bounds = array<i64: 1, 64>}, {pipeline_mode = #tpu.pipeline_mode<synchronous>, transform_indices = @transform_4, window_bounds = array<i64: 1, 64>}, {pipeline_mode = #tpu.pipeline_mode<synchronous>, transform_indices = @transform_5, window_bounds = array<i64: 64, 32>}, {pipeline_mode = #tpu.pipeline_mode<synchronous>, transform_indices = @transform_6, window_bounds = array<i64: 1, 32>}, {pipeline_mode = #tpu.pipeline_mode<synchronous>, transform_indices = @transform_7, window_bounds = array<i64: 1, 32>}, {pipeline_mode = #tpu.pipeline_mode<synchronous>, transform_indices = @transform_8, window_bounds = array<i64: 1, 32>}, {pipeline_mode = #tpu.pipeline_mode<synchronous>, transform_indices = @transform_9, window_bounds = array<i64: 32, 128>}, {pipeline_mode = #tpu.pipeline_mode<synchronous>, transform_indices = @transform_10, window_bounds = array<i64: 1, 128>}, {transform_indices = @transform_11, window_bounds = array<i64: 1000, 32>}, {transform_indices = @transform_12, window_bounds = array<i64: 1000, 128>}]} {
    %get3A = arith.constant 0 : index
    %get3A_0 = arith.constant 0 : index
    %get3A_1 = vector.load %arg2[%get3A, %get3A_0] : memref<1000x128xf32, #tpu.memory_space<vmem>>, vector<1000x128xf32>
    %get3A_2 = arith.constant 0 : index
    %get3A_3 = arith.constant 0 : index
    %get3A_4 = vector.load %arg3[%get3A_2, %get3A_3] : memref<1000x128xf32, #tpu.memory_space<vmem>>, vector<1000x128xf32>
    %add3A = arith.addf %get3A_1, %get3A_4 : vector<1000x128xf32>
    %slice3A = vector.extract_strided_slice %add3A {offsets = [0, 32], sizes = [1000, 1], strides = [1, 1]} : vector<1000x128xf32> to vector<1000x1xf32>
    %slice3A_5 = vector.extract_strided_slice %add3A {offsets = [0, 0], sizes = [1000, 32], strides = [1, 1]} : vector<1000x128xf32> to vector<1000x32xf32>
    %max3A = arith.constant 1.000000e+00 : f32
    %max3A_6 = vector.broadcast %max3A : f32 to vector<1000x1xf32>
    %max3A_7 = arith.maximumf %slice3A, %max3A_6 : vector<1000x1xf32>
    %div3A = vector.broadcast %max3A_7 : vector<1000x1xf32> to vector<1000x32xf32>
    %div3A_8 = arith.divf %slice3A_5, %div3A : vector<1000x32xf32>
    %get3A_9 = arith.constant 0 : index
    %get3A_10 = arith.constant 0 : index
    %get3A_11 = vector.load %arg1[%get3A_9, %get3A_10] : memref<1000x32xf32, #tpu.memory_space<vmem>>, vector<1000x32xf32>
    %concatenate3A = tpu.concatenate %get3A_11, %div3A_8 in 1 : vector<1000x32xf32>, vector<1000x32xf32> -> vector<1000x64xf32>
    %get3A_12 = arith.constant 0 : index
    %get3A_13 = arith.constant 0 : index
    %get3A_14 = vector.load %arg4[%get3A_12, %get3A_13] : memref<1x64xf32, #tpu.memory_space<vmem>>, vector<1x64xf32>
    %mul3A = vector.broadcast %get3A_14 : vector<1x64xf32> to vector<1000x64xf32>
    %mul3A_15 = arith.mulf %concatenate3A, %mul3A : vector<1000x64xf32>
    %get3A_16 = arith.constant 0 : index
    %get3A_17 = arith.constant 0 : index
    %get3A_18 = vector.load %arg5[%get3A_16, %get3A_17] : memref<1x64xf32, #tpu.memory_space<vmem>>, vector<1x64xf32>
    %add3A_19 = vector.broadcast %get3A_18 : vector<1x64xf32> to vector<1000x64xf32>
    %add3A_20 = arith.addf %mul3A_15, %add3A_19 : vector<1000x64xf32>
    %get3A_21 = arith.constant 0 : index
    %get3A_22 = arith.constant 0 : index
    %get3A_23 = vector.load %arg6[%get3A_21, %get3A_22] : memref<64x32xf32, #tpu.memory_space<vmem>>, vector<64x32xf32>
    %dot_general3A = arith.constant dense<0.000000e+00> : vector<1000x32xf32>
    %dot_general3A_24 = tpu.matmul %add3A_20, %get3A_23, %dot_general3A {dimension_numbers = #tpu.dot_dimension_numbers<[1], [0], [0], [1], [0, 0, 1, 1], [], []>, transpose_lhs_hint = false} : vector<1000x64xf32>, vector<64x32xf32>, vector<1000x32xf32> -> vector<1000x32xf32>
    %get3A_25 = arith.constant 0 : index
    %get3A_26 = arith.constant 0 : index
    %get3A_27 = vector.load %arg7[%get3A_25, %get3A_26] : memref<1x32xf32, #tpu.memory_space<vmem>>, vector<1x32xf32>
    %add3A_28 = vector.broadcast %get3A_27 : vector<1x32xf32> to vector<1000x32xf32>
    %add3A_29 = arith.addf %dot_general3A_24, %add3A_28 : vector<1000x32xf32>
    %integer_pow3A = arith.mulf %add3A_29, %add3A_29 : vector<1000x32xf32>
    %integer_pow3A_30 = arith.mulf %add3A_29, %integer_pow3A : vector<1000x32xf32>
    %mul3A_31 = arith.constant 4.471500e-02 : f32
    %mul3A_32 = vector.broadcast %mul3A_31 : f32 to vector<1000x32xf32>
    %mul3A_33 = arith.mulf %mul3A_32, %integer_pow3A_30 : vector<1000x32xf32>
    %add3A_34 = arith.addf %add3A_29, %mul3A_33 : vector<1000x32xf32>
    %mul3A_35 = arith.constant 0.797884583 : f32
    %mul3A_36 = vector.broadcast %mul3A_35 : f32 to vector<1000x32xf32>
    %mul3A_37 = arith.mulf %mul3A_36, %add3A_34 : vector<1000x32xf32>
    %tanh3A = math.tanh %mul3A_37 : vector<1000x32xf32>
    %add3A_38 = arith.constant 1.000000e+00 : f32
    %add3A_39 = vector.broadcast %add3A_38 : f32 to vector<1000x32xf32>
    %add3A_40 = arith.addf %add3A_39, %tanh3A : vector<1000x32xf32>
    %mul3A_41 = arith.constant 5.000000e-01 : f32
    %mul3A_42 = vector.broadcast %mul3A_41 : f32 to vector<1000x32xf32>
    %mul3A_43 = arith.mulf %mul3A_42, %add3A_40 : vector<1000x32xf32>
    %mul3A_44 = arith.mulf %add3A_29, %mul3A_43 : vector<1000x32xf32>
    %get3A_45 = arith.constant 0 : index
    %get3A_46 = arith.constant 0 : index
    %get3A_47 = vector.load %arg1[%get3A_45, %get3A_46] : memref<1000x32xf32, #tpu.memory_space<vmem>>, vector<1000x32xf32>
    %add3A_48 = arith.addf %mul3A_44, %get3A_47 : vector<1000x32xf32>
    %swap3A = arith.constant 0 : index
    %swap3A_49 = arith.constant 0 : index
    %swap3A_50 = vector.load %arg12[%swap3A, %swap3A_49] : memref<1000x32xf32, #tpu.memory_space<vmem>>, vector<1000x32xf32>
    tpu.vector_store %arg12[%swap3A, %swap3A_49], %add3A_48 {strides = array<i32>} : memref<1000x32xf32, #tpu.memory_space<vmem>>, vector<1000x32xf32>,
    %get3A_51 = arith.constant 0 : index
    %get3A_52 = arith.constant 0 : index
    %get3A_53 = vector.load %arg8[%get3A_51, %get3A_52] : memref<1x32xf32, #tpu.memory_space<vmem>>, vector<1x32xf32>
    %mul3A_54 = vector.broadcast %get3A_53 : vector<1x32xf32> to vector<1000x32xf32>
    %mul3A_55 = arith.mulf %add3A_48, %mul3A_54 : vector<1000x32xf32>
    %get3A_56 = arith.constant 0 : index
    %get3A_57 = arith.constant 0 : index
    %get3A_58 = vector.load %arg9[%get3A_56, %get3A_57] : memref<1x32xf32, #tpu.memory_space<vmem>>, vector<1x32xf32>
    %add3A_59 = vector.broadcast %get3A_58 : vector<1x32xf32> to vector<1000x32xf32>
    %add3A_60 = arith.addf %mul3A_55, %add3A_59 : vector<1000x32xf32>
    %get3A_61 = arith.constant 0 : index
    %get3A_62 = arith.constant 0 : index
    %get3A_63 = vector.load %arg10[%get3A_61, %get3A_62] : memref<32x128xf32, #tpu.memory_space<vmem>>, vector<32x128xf32>
    %dot_general3A_64 = arith.constant dense<0.000000e+00> : vector<1000x128xf32>
    %dot_general3A_65 = tpu.matmul %add3A_60, %get3A_63, %dot_general3A_64 {dimension_numbers = #tpu.dot_dimension_numbers<[1], [0], [0], [1], [0, 0, 1, 1], [], []>, transpose_lhs_hint = false} : vector<1000x32xf32>, vector<32x128xf32>, vector<1000x128xf32> -> vector<1000x128xf32>
    %get3A_66 = arith.constant 0 : index
    %get3A_67 = arith.constant 0 : index
    %get3A_68 = vector.load %arg11[%get3A_66, %get3A_67] : memref<1x128xf32, #tpu.memory_space<vmem>>, vector<1x128xf32>
    %add3A_69 = vector.broadcast %get3A_68 : vector<1x128xf32> to vector<1000x128xf32>
    %add3A_70 = arith.addf %dot_general3A_65, %add3A_69 : vector<1000x128xf32>
    %integer_pow3A_71 = arith.mulf %add3A_70, %add3A_70 : vector<1000x128xf32>
    %integer_pow3A_72 = arith.mulf %add3A_70, %integer_pow3A_71 : vector<1000x128xf32>
    %mul3A_73 = arith.constant 4.471500e-02 : f32
    %mul3A_74 = vector.broadcast %mul3A_73 : f32 to vector<1000x128xf32>
    %mul3A_75 = arith.mulf %mul3A_74, %integer_pow3A_72 : vector<1000x128xf32>
    %add3A_76 = arith.addf %add3A_70, %mul3A_75 : vector<1000x128xf32>
    %mul3A_77 = arith.constant 0.797884583 : f32
    %mul3A_78 = vector.broadcast %mul3A_77 : f32 to vector<1000x128xf32>
    %mul3A_79 = arith.mulf %mul3A_78, %add3A_76 : vector<1000x128xf32>
    %tanh3A_80 = math.tanh %mul3A_79 : vector<1000x128xf32>
    %add3A_81 = arith.constant 1.000000e+00 : f32
    %add3A_82 = vector.broadcast %add3A_81 : f32 to vector<1000x128xf32>
    %add3A_83 = arith.addf %add3A_82, %tanh3A_80 : vector<1000x128xf32>
    %mul3A_84 = arith.constant 5.000000e-01 : f32
    %mul3A_85 = vector.broadcast %mul3A_84 : f32 to vector<1000x128xf32>
    %mul3A_86 = arith.mulf %mul3A_85, %add3A_83 : vector<1000x128xf32>
    %mul3A_87 = arith.mulf %add3A_70, %mul3A_86 : vector<1000x128xf32>
    %iota3A = tpu.iota {dimensions = array<i32: 1>} : vector<1000x128xi32>
    %eq3A = arith.constant 32 : i32
    %eq3A_88 = vector.broadcast %eq3A : i32 to vector<1000x128xi32>
    %eq3A_89 = arith.cmpi eq, %iota3A, %eq3A_88 : vector<1000x128xi32>
    %jit3A = arith.constant 1.000000e+00 : f32
    %broadcast_in_dim3A = vector.broadcast %jit3A : f32 to vector<1000x128xf32>
    %select_n3A = arith.select %eq3A_89, %broadcast_in_dim3A, %mul3A_87 : vector<1000x128xi1>, vector<1000x128xf32>
    %swap3A_90 = arith.constant 0 : index
    %swap3A_91 = arith.constant 0 : index
    %swap3A_92 = vector.load %arg13[%swap3A_90, %swap3A_91] : memref<1000x128xf32, #tpu.memory_space<vmem>>, vector<1000x128xf32>
    tpu.vector_store %arg13[%swap3A_90, %swap3A_91], %select_n3A {strides = array<i32>} : memref<1000x128xf32, #tpu.memory_space<vmem>>, vector<1000x128xf32>,
    return
  }
  func.func @transform_0(%arg0: i32) -> (i32, i32) {
    %c0_i32 = arith.constant 0 : i32
    %c0_i32_0 = arith.constant 0 : i32
    return %arg0, %c0_i32 : i32, i32
  }
  func.func @transform_1(%arg0: i32) -> (i32, i32) {
    %c0_i32 = arith.constant 0 : i32
    %c0_i32_0 = arith.constant 0 : i32
    return %arg0, %c0_i32 : i32, i32
  }
  func.func @transform_2(%arg0: i32) -> (i32, i32) {
    %c0_i32 = arith.constant 0 : i32
    %c0_i32_0 = arith.constant 0 : i32
    return %arg0, %c0_i32 : i32, i32
  }
  func.func @transform_3(%arg0: i32) -> (i32, i32) {
    %c0_i32 = arith.constant 0 : i32
    %c0_i32_0 = arith.constant 0 : i32
    %c0_i32_1 = arith.constant 0 : i32
    return %c0_i32, %c0_i32_0 : i32, i32
  }
  func.func @transform_4(%arg0: i32) -> (i32, i32) {
    %c0_i32 = arith.constant 0 : i32
    %c0_i32_0 = arith.constant 0 : i32
    %c0_i32_1 = arith.constant 0 : i32
    return %c0_i32, %c0_i32_0 : i32, i32
  }
  func.func @transform_5(%arg0: i32) -> (i32, i32) {
    %c0_i32 = arith.constant 0 : i32
    %c0_i32_0 = arith.constant 0 : i32
    %c0_i32_1 = arith.constant 0 : i32
    return %c0_i32, %c0_i32_0 : i32, i32
  }
  func.func @transform_6(%arg0: i32) -> (i32, i32) {
    %c0_i32 = arith.constant 0 : i32
    %c0_i32_0 = arith.constant 0 : i32
    %c0_i32_1 = arith.constant 0 : i32
    return %c0_i32, %c0_i32_0 : i32, i32
  }
  func.func @transform_7(%arg0: i32) -> (i32, i32) {
    %c0_i32 = arith.constant 0 : i32
    %c0_i32_0 = arith.constant 0 : i32
    %c0_i32_1 = arith.constant 0 : i32
    return %c0_i32, %c0_i32_0 : i32, i32
  }
  func.func @transform_8(%arg0: i32) -> (i32, i32) {
    %c0_i32 = arith.constant 0 : i32
    %c0_i32_0 = arith.constant 0 : i32
    %c0_i32_1 = arith.constant 0 : i32
    return %c0_i32, %c0_i32_0 : i32, i32
  }
  func.func @transform_9(%arg0: i32) -> (i32, i32) {
    %c0_i32 = arith.constant 0 : i32
    %c0_i32_0 = arith.constant 0 : i32
    %c0_i32_1 = arith.constant 0 : i32
    return %c0_i32, %c0_i32_0 : i32, i32
  }
  func.func @transform_10(%arg0: i32) -> (i32, i32) {
    %c0_i32 = arith.constant 0 : i32
    %c0_i32_0 = arith.constant 0 : i32
    %c0_i32_1 = arith.constant 0 : i32
    return %c0_i32, %c0_i32_0 : i32, i32
  }
  func.func @transform_11(%arg0: i32) -> (i32, i32) {
    %c0_i32 = arith.constant 0 : i32
    %c0_i32_0 = arith.constant 0 : i32
    return %arg0, %c0_i32 : i32, i32
  }
  func.func @transform_12(%arg0: i32) -> (i32, i32) {
    %c0_i32 = arith.constant 0 : i32
    %c0_i32_0 = arith.constant 0 : i32
    return %arg0, %c0_i32 : i32, i32
  }
}

module attributes {stable_mosaic.version = 14 : i64} {
  func.func @_tc3_body(%arg0: i32, %arg1: memref<1000x32xf32, #tpu.memory_space<vmem>>, %arg2: memref<1000x128xf32, #tpu.memory_space<vmem>>, %arg3: memref<1000x128xf32, #tpu.memory_space<vmem>>, %arg4: memref<1x64xf32, #tpu.memory_space<vmem>>, %arg5: memref<1x64xf32, #tpu.memory_space<vmem>>, %arg6: memref<64x32xf32, #tpu.memory_space<vmem>>, %arg7: memref<1x32xf32, #tpu.memory_space<vmem>>, %arg8: memref<1x32xf32, #tpu.memory_space<vmem>>, %arg9: memref<1x32xf32, #tpu.memory_space<vmem>>, %arg10: memref<32x32xf32, #tpu.memory_space<vmem>>, %arg11: memref<1x32xf32, #tpu.memory_space<vmem>>, %arg12: memref<32x128xf32, #tpu.memory_space<vmem>>, %arg13: memref<1x128xf32, #tpu.memory_space<vmem>>, %arg14: memref<1000x128xf32, #tpu.memory_space<vmem>>) attributes {dimension_semantics = [#tpu.dimension_semantics<arbitrary>], iteration_bounds = array<i64: 10>, scalar_prefetch = 0 : i64, scratch_operands = 0 : i64, tpu.core_type = #tpu.core_type<tc>, window_params = [{transform_indices = @transform_0, window_bounds = array<i64: 1000, 32>}, {transform_indices = @transform_1, window_bounds = array<i64: 1000, 128>}, {transform_indices = @transform_2, window_bounds = array<i64: 1000, 128>}, {pipeline_mode = #tpu.pipeline_mode<synchronous>, transform_indices = @transform_3, window_bounds = array<i64: 1, 64>}, {pipeline_mode = #tpu.pipeline_mode<synchronous>, transform_indices = @transform_4, window_bounds = array<i64: 1, 64>}, {pipeline_mode = #tpu.pipeline_mode<synchronous>, transform_indices = @transform_5, window_bounds = array<i64: 64, 32>}, {pipeline_mode = #tpu.pipeline_mode<synchronous>, transform_indices = @transform_6, window_bounds = array<i64: 1, 32>}, {pipeline_mode = #tpu.pipeline_mode<synchronous>, transform_indices = @transform_7, window_bounds = array<i64: 1, 32>}, {pipeline_mode = #tpu.pipeline_mode<synchronous>, transform_indices = @transform_8, window_bounds = array<i64: 1, 32>}, {pipeline_mode = #tpu.pipeline_mode<synchronous>, transform_indices = @transform_9, window_bounds = array<i64: 32, 32>}, {pipeline_mode = #tpu.pipeline_mode<synchronous>, transform_indices = @transform_10, window_bounds = array<i64: 1, 32>}, {pipeline_mode = #tpu.pipeline_mode<synchronous>, transform_indices = @transform_11, window_bounds = array<i64: 32, 128>}, {pipeline_mode = #tpu.pipeline_mode<synchronous>, transform_indices = @transform_12, window_bounds = array<i64: 1, 128>}, {transform_indices = @transform_13, window_bounds = array<i64: 1000, 128>}]} {
    %get3A = arith.constant 0 : index
    %get3A_0 = arith.constant 0 : index
    %get3A_1 = vector.load %arg2[%get3A, %get3A_0] : memref<1000x128xf32, #tpu.memory_space<vmem>>, vector<1000x128xf32>
    %get3A_2 = arith.constant 0 : index
    %get3A_3 = arith.constant 0 : index
    %get3A_4 = vector.load %arg3[%get3A_2, %get3A_3] : memref<1000x128xf32, #tpu.memory_space<vmem>>, vector<1000x128xf32>
    %add3A = arith.addf %get3A_1, %get3A_4 : vector<1000x128xf32>
    %slice3A = vector.extract_strided_slice %add3A {offsets = [0, 32], sizes = [1000, 1], strides = [1, 1]} : vector<1000x128xf32> to vector<1000x1xf32>
    %slice3A_5 = vector.extract_strided_slice %add3A {offsets = [0, 0], sizes = [1000, 32], strides = [1, 1]} : vector<1000x128xf32> to vector<1000x32xf32>
    %max3A = arith.constant 1.000000e+00 : f32
    %max3A_6 = vector.broadcast %max3A : f32 to vector<1000x1xf32>
    %max3A_7 = arith.maximumf %slice3A, %max3A_6 : vector<1000x1xf32>
    %div3A = vector.broadcast %max3A_7 : vector<1000x1xf32> to vector<1000x32xf32>
    %div3A_8 = arith.divf %slice3A_5, %div3A : vector<1000x32xf32>
    %get3A_9 = arith.constant 0 : index
    %get3A_10 = arith.constant 0 : index
    %get3A_11 = vector.load %arg1[%get3A_9, %get3A_10] : memref<1000x32xf32, #tpu.memory_space<vmem>>, vector<1000x32xf32>
    %concatenate3A = tpu.concatenate %get3A_11, %div3A_8 in 1 : vector<1000x32xf32>, vector<1000x32xf32> -> vector<1000x64xf32>
    %get3A_12 = arith.constant 0 : index
    %get3A_13 = arith.constant 0 : index
    %get3A_14 = vector.load %arg4[%get3A_12, %get3A_13] : memref<1x64xf32, #tpu.memory_space<vmem>>, vector<1x64xf32>
    %mul3A = vector.broadcast %get3A_14 : vector<1x64xf32> to vector<1000x64xf32>
    %mul3A_15 = arith.mulf %concatenate3A, %mul3A : vector<1000x64xf32>
    %get3A_16 = arith.constant 0 : index
    %get3A_17 = arith.constant 0 : index
    %get3A_18 = vector.load %arg5[%get3A_16, %get3A_17] : memref<1x64xf32, #tpu.memory_space<vmem>>, vector<1x64xf32>
    %add3A_19 = vector.broadcast %get3A_18 : vector<1x64xf32> to vector<1000x64xf32>
    %add3A_20 = arith.addf %mul3A_15, %add3A_19 : vector<1000x64xf32>
    %get3A_21 = arith.constant 0 : index
    %get3A_22 = arith.constant 0 : index
    %get3A_23 = vector.load %arg6[%get3A_21, %get3A_22] : memref<64x32xf32, #tpu.memory_space<vmem>>, vector<64x32xf32>
    %dot_general3A = arith.constant dense<0.000000e+00> : vector<1000x32xf32>
    %dot_general3A_24 = tpu.matmul %add3A_20, %get3A_23, %dot_general3A {dimension_numbers = #tpu.dot_dimension_numbers<[1], [0], [0], [1], [0, 0, 1, 1], [], []>, transpose_lhs_hint = false} : vector<1000x64xf32>, vector<64x32xf32>, vector<1000x32xf32> -> vector<1000x32xf32>
    %get3A_25 = arith.constant 0 : index
    %get3A_26 = arith.constant 0 : index
    %get3A_27 = vector.load %arg7[%get3A_25, %get3A_26] : memref<1x32xf32, #tpu.memory_space<vmem>>, vector<1x32xf32>
    %add3A_28 = vector.broadcast %get3A_27 : vector<1x32xf32> to vector<1000x32xf32>
    %add3A_29 = arith.addf %dot_general3A_24, %add3A_28 : vector<1000x32xf32>
    %integer_pow3A = arith.mulf %add3A_29, %add3A_29 : vector<1000x32xf32>
    %integer_pow3A_30 = arith.mulf %add3A_29, %integer_pow3A : vector<1000x32xf32>
    %mul3A_31 = arith.constant 4.471500e-02 : f32
    %mul3A_32 = vector.broadcast %mul3A_31 : f32 to vector<1000x32xf32>
    %mul3A_33 = arith.mulf %mul3A_32, %integer_pow3A_30 : vector<1000x32xf32>
    %add3A_34 = arith.addf %add3A_29, %mul3A_33 : vector<1000x32xf32>
    %mul3A_35 = arith.constant 0.797884583 : f32
    %mul3A_36 = vector.broadcast %mul3A_35 : f32 to vector<1000x32xf32>
    %mul3A_37 = arith.mulf %mul3A_36, %add3A_34 : vector<1000x32xf32>
    %tanh3A = math.tanh %mul3A_37 : vector<1000x32xf32>
    %add3A_38 = arith.constant 1.000000e+00 : f32
    %add3A_39 = vector.broadcast %add3A_38 : f32 to vector<1000x32xf32>
    %add3A_40 = arith.addf %add3A_39, %tanh3A : vector<1000x32xf32>
    %mul3A_41 = arith.constant 5.000000e-01 : f32
    %mul3A_42 = vector.broadcast %mul3A_41 : f32 to vector<1000x32xf32>
    %mul3A_43 = arith.mulf %mul3A_42, %add3A_40 : vector<1000x32xf32>
    %mul3A_44 = arith.mulf %add3A_29, %mul3A_43 : vector<1000x32xf32>
    %get3A_45 = arith.constant 0 : index
    %get3A_46 = arith.constant 0 : index
    %get3A_47 = vector.load %arg1[%get3A_45, %get3A_46] : memref<1000x32xf32, #tpu.memory_space<vmem>>, vector<1000x32xf32>
    %add3A_48 = arith.addf %mul3A_44, %get3A_47 : vector<1000x32xf32>
    %get3A_49 = arith.constant 0 : index
    %get3A_50 = arith.constant 0 : index
    %get3A_51 = vector.load %arg8[%get3A_49, %get3A_50] : memref<1x32xf32, #tpu.memory_space<vmem>>, vector<1x32xf32>
    %mul3A_52 = vector.broadcast %get3A_51 : vector<1x32xf32> to vector<1000x32xf32>
    %mul3A_53 = arith.mulf %add3A_48, %mul3A_52 : vector<1000x32xf32>
    %get3A_54 = arith.constant 0 : index
    %get3A_55 = arith.constant 0 : index
    %get3A_56 = vector.load %arg9[%get3A_54, %get3A_55] : memref<1x32xf32, #tpu.memory_space<vmem>>, vector<1x32xf32>
    %add3A_57 = vector.broadcast %get3A_56 : vector<1x32xf32> to vector<1000x32xf32>
    %add3A_58 = arith.addf %mul3A_53, %add3A_57 : vector<1000x32xf32>
    %get3A_59 = arith.constant 0 : index
    %get3A_60 = arith.constant 0 : index
    %get3A_61 = vector.load %arg10[%get3A_59, %get3A_60] : memref<32x32xf32, #tpu.memory_space<vmem>>, vector<32x32xf32>
    %dot_general3A_62 = arith.constant dense<0.000000e+00> : vector<1000x32xf32>
    %dot_general3A_63 = tpu.matmul %add3A_58, %get3A_61, %dot_general3A_62 {dimension_numbers = #tpu.dot_dimension_numbers<[1], [0], [0], [1], [0, 0, 1, 1], [], []>, transpose_lhs_hint = false} : vector<1000x32xf32>, vector<32x32xf32>, vector<1000x32xf32> -> vector<1000x32xf32>
    %get3A_64 = arith.constant 0 : index
    %get3A_65 = arith.constant 0 : index
    %get3A_66 = vector.load %arg11[%get3A_64, %get3A_65] : memref<1x32xf32, #tpu.memory_space<vmem>>, vector<1x32xf32>
    %add3A_67 = vector.broadcast %get3A_66 : vector<1x32xf32> to vector<1000x32xf32>
    %add3A_68 = arith.addf %dot_general3A_63, %add3A_67 : vector<1000x32xf32>
    %integer_pow3A_69 = arith.mulf %add3A_68, %add3A_68 : vector<1000x32xf32>
    %integer_pow3A_70 = arith.mulf %add3A_68, %integer_pow3A_69 : vector<1000x32xf32>
    %mul3A_71 = arith.constant 4.471500e-02 : f32
    %mul3A_72 = vector.broadcast %mul3A_71 : f32 to vector<1000x32xf32>
    %mul3A_73 = arith.mulf %mul3A_72, %integer_pow3A_70 : vector<1000x32xf32>
    %add3A_74 = arith.addf %add3A_68, %mul3A_73 : vector<1000x32xf32>
    %mul3A_75 = arith.constant 0.797884583 : f32
    %mul3A_76 = vector.broadcast %mul3A_75 : f32 to vector<1000x32xf32>
    %mul3A_77 = arith.mulf %mul3A_76, %add3A_74 : vector<1000x32xf32>
    %tanh3A_78 = math.tanh %mul3A_77 : vector<1000x32xf32>
    %add3A_79 = arith.constant 1.000000e+00 : f32
    %add3A_80 = vector.broadcast %add3A_79 : f32 to vector<1000x32xf32>
    %add3A_81 = arith.addf %add3A_80, %tanh3A_78 : vector<1000x32xf32>
    %mul3A_82 = arith.constant 5.000000e-01 : f32
    %mul3A_83 = vector.broadcast %mul3A_82 : f32 to vector<1000x32xf32>
    %mul3A_84 = arith.mulf %mul3A_83, %add3A_81 : vector<1000x32xf32>
    %mul3A_85 = arith.mulf %add3A_68, %mul3A_84 : vector<1000x32xf32>
    %get3A_86 = arith.constant 0 : index
    %get3A_87 = arith.constant 0 : index
    %get3A_88 = vector.load %arg12[%get3A_86, %get3A_87] : memref<32x128xf32, #tpu.memory_space<vmem>>, vector<32x128xf32>
    %dot_general3A_89 = arith.constant dense<0.000000e+00> : vector<1000x128xf32>
    %dot_general3A_90 = tpu.matmul %mul3A_85, %get3A_88, %dot_general3A_89 {dimension_numbers = #tpu.dot_dimension_numbers<[1], [0], [0], [1], [0, 0, 1, 1], [], []>, transpose_lhs_hint = false} : vector<1000x32xf32>, vector<32x128xf32>, vector<1000x128xf32> -> vector<1000x128xf32>
    %get3A_91 = arith.constant 0 : index
    %get3A_92 = arith.constant 0 : index
    %get3A_93 = vector.load %arg13[%get3A_91, %get3A_92] : memref<1x128xf32, #tpu.memory_space<vmem>>, vector<1x128xf32>
    %add3A_94 = vector.broadcast %get3A_93 : vector<1x128xf32> to vector<1000x128xf32>
    %add3A_95 = arith.addf %dot_general3A_90, %add3A_94 : vector<1000x128xf32>
    %swap3A = arith.constant 0 : index
    %swap3A_96 = arith.constant 0 : index
    %swap3A_97 = vector.load %arg14[%swap3A, %swap3A_96] : memref<1000x128xf32, #tpu.memory_space<vmem>>, vector<1000x128xf32>
    tpu.vector_store %arg14[%swap3A, %swap3A_96], %add3A_95 {strides = array<i32>} : memref<1000x128xf32, #tpu.memory_space<vmem>>, vector<1000x128xf32>,
    return
  }
  func.func @transform_0(%arg0: i32) -> (i32, i32) {
    %c0_i32 = arith.constant 0 : i32
    %c0_i32_0 = arith.constant 0 : i32
    return %arg0, %c0_i32 : i32, i32
  }
  func.func @transform_1(%arg0: i32) -> (i32, i32) {
    %c0_i32 = arith.constant 0 : i32
    %c0_i32_0 = arith.constant 0 : i32
    return %arg0, %c0_i32 : i32, i32
  }
  func.func @transform_2(%arg0: i32) -> (i32, i32) {
    %c0_i32 = arith.constant 0 : i32
    %c0_i32_0 = arith.constant 0 : i32
    return %arg0, %c0_i32 : i32, i32
  }
  func.func @transform_3(%arg0: i32) -> (i32, i32) {
    %c0_i32 = arith.constant 0 : i32
    %c0_i32_0 = arith.constant 0 : i32
    %c0_i32_1 = arith.constant 0 : i32
    return %c0_i32, %c0_i32_0 : i32, i32
  }
  func.func @transform_4(%arg0: i32) -> (i32, i32) {
    %c0_i32 = arith.constant 0 : i32
    %c0_i32_0 = arith.constant 0 : i32
    %c0_i32_1 = arith.constant 0 : i32
    return %c0_i32, %c0_i32_0 : i32, i32
  }
  func.func @transform_5(%arg0: i32) -> (i32, i32) {
    %c0_i32 = arith.constant 0 : i32
    %c0_i32_0 = arith.constant 0 : i32
    %c0_i32_1 = arith.constant 0 : i32
    return %c0_i32, %c0_i32_0 : i32, i32
  }
  func.func @transform_6(%arg0: i32) -> (i32, i32) {
    %c0_i32 = arith.constant 0 : i32
    %c0_i32_0 = arith.constant 0 : i32
    %c0_i32_1 = arith.constant 0 : i32
    return %c0_i32, %c0_i32_0 : i32, i32
  }
  func.func @transform_7(%arg0: i32) -> (i32, i32) {
    %c0_i32 = arith.constant 0 : i32
    %c0_i32_0 = arith.constant 0 : i32
    %c0_i32_1 = arith.constant 0 : i32
    return %c0_i32, %c0_i32_0 : i32, i32
  }
  func.func @transform_8(%arg0: i32) -> (i32, i32) {
    %c0_i32 = arith.constant 0 : i32
    %c0_i32_0 = arith.constant 0 : i32
    %c0_i32_1 = arith.constant 0 : i32
    return %c0_i32, %c0_i32_0 : i32, i32
  }
  func.func @transform_9(%arg0: i32) -> (i32, i32) {
    %c0_i32 = arith.constant 0 : i32
    %c0_i32_0 = arith.constant 0 : i32
    %c0_i32_1 = arith.constant 0 : i32
    return %c0_i32, %c0_i32_0 : i32, i32
  }
  func.func @transform_10(%arg0: i32) -> (i32, i32) {
    %c0_i32 = arith.constant 0 : i32
    %c0_i32_0 = arith.constant 0 : i32
    %c0_i32_1 = arith.constant 0 : i32
    return %c0_i32, %c0_i32_0 : i32, i32
  }
  func.func @transform_11(%arg0: i32) -> (i32, i32) {
    %c0_i32 = arith.constant 0 : i32
    %c0_i32_0 = arith.constant 0 : i32
    %c0_i32_1 = arith.constant 0 : i32
    return %c0_i32, %c0_i32_0 : i32, i32
  }
  func.func @transform_12(%arg0: i32) -> (i32, i32) {
    %c0_i32 = arith.constant 0 : i32
    %c0_i32_0 = arith.constant 0 : i32
    %c0_i32_1 = arith.constant 0 : i32
    return %c0_i32, %c0_i32_0 : i32, i32
  }
  func.func @transform_13(%arg0: i32) -> (i32, i32) {
    %c0_i32 = arith.constant 0 : i32
    %c0_i32_0 = arith.constant 0 : i32
    return %arg0, %c0_i32 : i32, i32
  }
}

</mosaic_0001>

<sc_bundles>
// kernel: kernel.11.cloned.1.call-start
scs
__scs_entry_jumppad:
0x0: {  	(pc) =	sbr.rel $0x88, $3  }
0x1: {  	(tag) =	ssettag $0x0;
	lr =	simm.s32 $0x1  }
0x2: {  	[smem:$0x3F78] =	sst lr;
	_ =	strace $0xD0000000  }
0x3: {  	_ = 	snop  }
0x4: {  	_ = 	snop  }
0x5: {  	_ = 	snop  }
0x6: {  	_ = 	snop  }
0x7: {  	_ = 	snop  }
__scs_overlays_trampoline_lowered:
0x8: {  	[smem:$0x3F87] =	sst s0  }
0x9: {  	[smem:$0x3F88] =	sst s1  }
0xa: {  	[smem:$0x3F89] =	sst s2  }
0xb: {  	[smem:$0x3F8A] =	sst s3  }
0xc: {  	[smem:$0x3F8B] =	sst s4  }
0xd: {  	[smem:$0x3F8C] =	sst s5  }
0xe: {  	[smem:$0x3F8D] =	sst s6  }
0xf: {  	[smem:$0x3F8E] =	sst s7  }
0x10: {  	[smem:$0x3F8F] =	sst s8  }
0x11: {  	[smem:$0x3F90] =	sst s9;
	s0 =	simm.s32 @!p0 $0x0  }
0x12: {  	s1 =	sld [smem:$0x3F76];
	s0 =	simm.s32 @p0 $0x1  }
0x13: {  	[smem:$0x3F91] =	sst s0;
	s0 =	simm.s32 @!p1 $0x0  }
0x14: {  	s2 =	sld [smem:$0x3F75];
	s0 =	simm.s32 @p1 $0x1  }
0x15: {  	[smem:$0x3F92] =	sst s0;
	s0 =	simm.s32 @!p2 $0x0  }
0x16: {  	s3 =	sld [smem:$0x3FDB];
	s0 =	simm.s32 @p2 $0x1  }
0x17: {  	s4 =	simm.s32 $0x1BF5;
	[smem:$0x3F94] =	sst s0  }
0x18: {  	s0 =	sld [smem:$0x3F77];
	_ =	swait.ge [sflag:s4], $0x0  }
0x19: {  	s7 =	sld [smem:$0x3F78]  }
0x1a: {  	s8 =	sadd.s32 $0xFFFFE003, lr  }
0x1b: {  	s9 =	sadd.s32 $0xFFFFFEF7, lr;
	s5 =	simm.s32 $0xFFFFFFFF;
	p2 =	slt.u32 s8, $0xFFFFF086  }
0x1c: {  	p1 =	slt.u32 s9, $0xF7A;
	s5 =	simm.s32 @!p2 $0x0  }
0x1d: {  	s5 =	simm.s32 @p1 $0x1;
	p0 =	seq.s32 s7, s2  }
0x1e: {  	s7 =	smul.u32 @!p0 $0xF7A, s2;
	p2 =	seq.s32 @!p0 s5, $0x0  }
0x1f: {  	s9 =	smul.u32 $0xF7A, s1;
	s8 =	simm.s32 @!p0 $0x1BF5;
	p2 =	por !p2, p0  }
0x20: {  	[sflag:s8] =	ssyncset.s32 @!p0 $0xFFFFF086;
	s6 =	sadd.s32 @!p0 s3, s7;
	s7 =	simm.s32 @!p0 $0x108  }
0x21: {  	s3 =	sadd.s32 s3, s9;
	s6 =	sadd.s32 @!p0 $0x88, s6;
	s7 =	simm.s32 @p2 $0x1082  }
0x22: {  	[simem:s7], [sflag:s8] =	dma.local @!p0 [hbm:s6], $0xF7A  }
0x23: {  	s9 =	sor.u32 $0xD0000000, s2;
	s6 =	simm.s32 $0x108;
	_ =	swait.ge @!p0 [sflag:s8], $0x0  }
0x24: {  	s3 =	sadd.s32 $0x88, s3;
	s6 =	simm.s32 @!p1 $0x1082;
	[sflag:s4] =	ssyncset.s32 $0xFFFFF086  }
0x25: {  	[simem:s6], [sflag:s4] =	dma.local [hbm:s3], $0xF7A  }
0x26: {  	[smem:$0x3F78] =	sst s1;
	(tag) =	ssettag s2;
	_ =	strace s9  }
0x27: {  	s1 =	sld [smem:$0x3F88]  }
0x28: {  	s2 =	sld [smem:$0x3F89]  }
0x29: {  	s4 =	sld [smem:$0x3F8B]  }
0x2a: {  	p0 =	seq.s32 s5, $0x0;
	s5 =	sld [smem:$0x3F8C]  }
0x2b: {  	s6 =	sld [smem:$0x3F8D]  }
0x2c: {  	s7 =	sld [smem:$0x3F8E]  }
0x2d: {  	s3 =	simm.s32 $0x108;
	s8 =	sld [smem:$0x3F8F]  }
0x2e: {  	s3 =	simm.s32 @!p0 $0x1082;
	s9 =	sld [smem:$0x3F90]  }
0x2f: {  	lr =	sadd.s32 s0, s3;
	s0 =	sld [smem:$0x3F87]  }
0x30: {  	s3 =	sld [smem:$0x3F8A]  }
0x31: {  	[smem:$0x3F93] =	sst s10  }
0x32: {  	s10 =	sld [smem:$0x3F91];
	_ =	sdelay $0x3  }
0x33: {  	p0 =	seq.s32 s10, $0x1;
	s10 =	sld [smem:$0x3F93];
	_ =	sdelay $0x3  }
0x34: {  	[smem:$0x3F93] =	sst s10  }
0x35: {  	s10 =	sld [smem:$0x3F92];
	_ =	sdelay $0x3  }
0x36: {  	p1 =	seq.s32 s10, $0x1;
	s10 =	sld [smem:$0x3F93];
	_ =	sdelay $0x3  }
0x37: {  	[smem:$0x3F93] =	sst s10  }
0x38: {  	s10 =	sld [smem:$0x3F94]  }
0x39: {  	_ = 	snop;
	(pc) =	sbr.ind lr, $3  }
0x3a: {  	_ = 	snop  }
0x3b: {  	_ = 	snop  }
0x3c: {  	p2 =	seq.s32 s10, $0x1;
	s10 =	sld [smem:$0x3F93]  }
0x3d: {  	_ =	shalt  }
0x3e: {  	_ =	shalt  }
0x3f: {  	_ =	shalt  }
0x40: {  	_ =	shalt  }
0x41: {  	_ =	shalt  }
0x42: {  	_ =	shalt  }
0x43: {  	_ =	shalt  }
0x44: {  	_ =	shalt  }
0x45: {  	_ =	shalt  }
0x46: {  	_ =	shalt  }
0x47: {  	_ =	shalt  }
0x48: {  	_ =	shalt  }
0x49: {  	_ =	shalt  }
0x4a: {  	_ =	shalt  }
0x4b: {  	_ =	shalt  }
0x4c: {  	_ =	shalt  }
0x4d: {  	_ =	shalt  }
0x4e: {  	_ =	shalt  }
0x4f: {  	_ =	shalt  }
0x50: {  	_ =	shalt  }
0x51: {  	_ =	shalt  }
0x52: {  	_ =	shalt  }
0x53: {  	_ =	shalt  }
0x54: {  	_ =	shalt  }
0x55: {  	_ =	shalt  }
0x56: {  	_ =	shalt  }
0x57: {  	_ =	shalt  }
0x58: {  	_ =	shalt  }
0x59: {  	_ =	shalt  }
0x5a: {  	_ =	shalt  }
0x5b: {  	_ =	shalt  }
0x5c: {  	_ =	shalt  }
0x5d: {  	_ =	shalt  }
0x5e: {  	_ =	shalt  }
0x5f: {  	_ =	shalt  }
0x60: {  	_ =	shalt  }
0x61: {  	_ =	shalt  }
0x62: {  	_ =	shalt  }
0x63: {  	_ =	shalt  }
0x64: {  	_ =	shalt  }
0x65: {  	_ =	shalt  }
0x66: {  	_ =	shalt  }
0x67: {  	_ =	shalt  }
0x68: {  	_ =	shalt  }
0x69: {  	_ =	shalt  }
0x6a: {  	_ =	shalt  }
0x6b: {  	_ =	shalt  }
0x6c: {  	_ =	shalt  }
0x6d: {  	_ =	shalt  }
0x6e: {  	_ =	shalt  }
0x6f: {  	_ =	shalt  }
0x70: {  	_ =	shalt  }
0x71: {  	_ =	shalt  }
0x72: {  	_ =	shalt  }
0x73: {  	_ =	shalt  }
0x74: {  	_ =	shalt  }
0x75: {  	_ =	shalt  }
0x76: {  	_ =	shalt  }
0x77: {  	_ =	shalt  }
0x78: {  	_ =	shalt  }
0x79: {  	_ =	shalt  }
0x7a: {  	_ =	shalt  }
0x7b: {  	_ =	shalt  }
0x7c: {  	_ =	shalt  }
0x7d: {  	_ =	shalt  }
0x7e: {  	_ =	shalt  }
0x7f: {  	_ =	shalt  }
0x80: {  	_ =	shalt  }
0x81: {  	_ =	shalt  }
0x82: {  	_ =	shalt  }
0x83: {  	_ =	shalt  }
0x84: {  	_ =	shalt  }
0x85: {  	_ =	shalt  }
0x86: {  	_ =	shalt  }
0x87: {  	_ =	shalt  }
.Lfunc_end0:
.L_simem_size_0:
called_computation.1_lowered:
.L_overlay_start_0:
0x88: {  	s2 =	sld [smem:$0x3FD9]  }
0x89: {  	s3 =	sld [smem:$0x3FFE];
	_ =	sdelay $0x1  }
0x8a: {  	s1 =	srdreg.scid  }
0x8b: {  	s0 =	sand.u32 $0x1, s1  }
0x8c: {  	s16 =	sshll.u32 s0, $0xA;
	s2 =	sadd.s32 s3, s2  }
0x8d: {  	s2 =	sadd.s32 s2, s16  }
0x8e: {  	[smem:$0x3F9F] =	sst s2  }
0x8f: {  	_ = 	snop  }
0x90: {  	(tm) =	ssettm $0x1  }
0x91: {  	s17 =	sld [smem:$0x3FFB];
	_ =	sdelay $0x3  }
0x92: {  	_ =	strace s17  }
0x93: {  	s2 =	sld [smem:$0x3FFC];
	_ =	sdelay $0x3  }
0x94: {  	_ =	strace s2  }
0x95: {  	s2 =	sld [smem:$0x3FFD];
	_ =	sdelay $0x3  }
0x96: {  	_ =	strace s2  }
0x97: {  	_ =	strace $0x8FFFFFFF  }
0x98: {  	s18 =	sld [smem:$0x3FDB];
	_ =	sdelay $0x1  }
0x99: {  	s19 =	simm.s32 $_scs_section_size  }
0x9a: {  	s4 =	simm.s32 $_size__tile_overlayer_lowered;
	s5 =	simm.s32 $_tile_overlayer_lowered  }
0x9b: {  	s22 =	simm.s32 $0x1BFF;
	s21 =	sshll.u32 s5, $0x1;
	s2 =	sadd.s32 s19, s18  }
0x9c: {  	s6 =	simm.s32 $0x0;
	s20 =	sshll.u32 s4, $0x1;
	s4 =	sadd.s32 s21, s2  }
0x9d: {  	[timem:s6], [sflag:s22] =	dma.local [hbm:s4], s20  }
0x9e: {  	_ =	swait.ge [sflag:s22], s20  }
0x9f: {  	s3 =	ssub.s32 $0x0, s20;
	[sflag:s22] =	ssyncset.done $0x0  }
0xa0: {  	[sflag:s22] =	ssyncadd.s32 s3;
	_ =	sdelay $0x1  }
0xa1: {  	s23 =	simm.s32 $0x1B8B  }
0xa2: {  	_ =	swait.ge [sflag:s23], $0x1  }
0xa3: {  	[sflag:s23] =	ssyncset.done $0x0  }
0xa4: {  	s25 =	simm.s32 $0x1B8E;
	s24 =	sld [smem:$0x3FFE];
	[sflag:s23] =	ssyncadd.s32 $0xFFFFFFFF  }
0xa5: {  	s26 =	simm.s32 $execute0_lowered;
	[smem:$0x3FD2] =	sst s25  }
0xa6: {  	s4 =	sshll.u32 s26, $0x1;
	_ =	strace $0x80000049;
	[dreg:$0x1] =	wrdreg $0xFFFFFFFF  }
0xa7: {  	s28 =	simm.s32 $_size_execute0_lowered;
	s2 =	sadd.s32 s2, s4;
	[dreg:$0x0] =	wrdreg $0x0  }
0xa8: {  	s4 =	sshll.u32 s28, $0x1;
	[dreg:$0x2] =	wrdreg s2  }
0xa9: {  	[dreg:$0x3] =	wrdreg s4  }
0xaa: {  	[dreg:$0x4] =	wrdreg $0xC0  }
0xab: {  	_ =	task [dreg:s6], $0x5FFFF  }
0xac: {  	[dreg:$0x1] =	wrdreg $0xFFFFFFFF  }
0xad: {  	[dreg:$0x0] =	wrdreg $0x60  }
0xae: {  	[dreg:$0x2] =	wrdreg s24  }
0xaf: {  	[dreg:$0x3] =	wrdreg $0x90000  }
0xb0: {  	[dreg:$0x4] =	wrdreg $0x9  }
0xb1: {  	_ =	task.clear_ibuf [dreg:s6], $0x5FFFF;
	_ =	strace $0x90000049  }
0xb2: {  	s29 =	simm.s32 $0x9;
	_ =	strace $0x8000004B  }
0xb3: {  	_ =	swait.ge [sflag:s29], $0x1  }
0xb4: {  	[sflag:s29] =	ssyncadd.s32 $0xFFFFFFFF  }
0xb5: {  	_ =	strace $0x9000004B  }
0xb6: {  	_ =	sfence  }
0xb7: {  	s30 =	sld [smem:$0x0];
	_ =	sdelay $0x2  }
0xb8: {  	s31 =	sshll.u32 s1, $0xD;
	s1 =	sshrl.u32 s1, $0x2  }
0xb9: {  	s3 =	sand.u32 $0x4000, s31;
	s1 =	sadd.s32 s1, s30  }
0xba: {  	s0 =	sor.u32 s3, s0;
	s1 =	sshll.u32 s1, $0x11  }
0xbb: {  	s0 =	sor.u32 s1, s0  }
0xbc: {  	s0 =	sadd.s32 $0x8F2B, s0  }
0xbd: {  	[sflag:s0] =	ssyncadd.remote.s32 $0x1  }
0xbe: {  	_ =	sfence.sel $0xFFFF  }
0xbf: {  	[dreg:$0x0] =	wrdreg $0xFFFFFFFF;
	(pc) =	sbr.abs _section_cstart, $3  }
0xc0: {  	[dreg:$0x1] =	wrdreg $0xFFFFFFFF  }
0xc1: {  	_ =	task.clear_ibuf [dreg:s6], $0x2FFFF;
	_ =	strace $0x9FFFFFFF  }
0xc2: {  	(tm) =	ssettm $0x7FFFFFFF  }
0xc3: {  	_ =	shalt  }
tec
execute0_lowered:
.L_overlay_start_1:
0x0: {  	(tag) =	ssettag $0x1  }
0x1: {  	s1 =	srdreg.scid  }
0x2: {  	s0 =	stileid.u32;
	s6 =	rddreg [dreg:$0x0]  }
0x3: {  	s2 =	rddreg [dreg:$0x1];
	s3 =	simm.s32 $0x0;
	s14 =	simm.s32 $0x80  }
0x4: {  	s15 =	simm.s32 $0x5000;
	s16 =	simm.s32 $0x1;
	s17 =	simm.s32 $0x0  }
0x5: {  	s5 =	sand.u32 $0x1, s1;
	s29 =	sshll.u32 s0, $0x1;
	s9 =	smul.u32 $0x13C00, s0  }
0x6: {  	[smem:$0x7FF] =	sst s3;
	s4 =	sadd.s32 $0x1A200, s6;
	s11 =	smul.u32 $0x4F000, s0  }
0x7: {  	s12 =	sshll.u32 s0, $0x6;
	s1 =	sor.u32 s5, s29;
	s8 =	smul.u32 $0x13C000, s5  }
0x8: {  	s30 =	ssub.s32 $0x2, s5;
	s5 =	sadd.s32 $0x41400, s6;
	s12 =	sor.u32 $0x1C02, s12  }
0x9: {  	s7 =	smul.u32 $0x500, s1;
	s1 =	rddreg [dreg:$0x2];
	_ =	strace $0x8000004A  }
0xa: {  	s10 =	sshrl.u32 s30, $0x1;
	s31 =	sshrl.u32 s11, $0x2;
	s11 =	simm.s32 $0x2800  }
0xb: {  	s8 =	sadd.s32 s9, s8;
	s9 =	ssub.s32 s30, s10;
	s13 =	sadd.s32 s31, s2  }
0xc: {  	s10 =	simm.s32 $0x2;
	s7 =	sadd.s32 s7, s6;
	s8 =	sshrl.u32 s8, $0x3  }
0xd: {  	s9 =	smax.u32 s9, $0x1;
	s13 =	sshrl.u32 s13, $0x3;
	s8 =	sadd.s32 s8, s6  }
0xe: {  	s6 =	sadd.s32 $0x6200, s7;
	s7 =	sadd.s32 $0x10200, s7;
	s8 =	sadd.s32 $0x43C00, s8  }
.LBB2_1:
0xf: {  	[tilespmem:s3], [sflag:$0x2] =	stream.linear.gather [hbm4b:s6+s3], $0x2800, $0x38;
	[tilespmem:$0x1CC00] =	vst v63  }
0x10: {  	_ =	swait.ge [sflag:s10], $0x2800  }
0x11: {  	[sflag:s10] =	ssyncset.done $0x0  }
0x12: {  	[sflag:s10] =	ssyncadd.s32 $0xFFFFD800  }
0x13: {  	[tilespmem:s11], [sflag:$0x2] =	stream.linear.gather [hbm4b:s7+s3], $0x2800, $0x38;
	[tilespmem:$0x1CC00] =	vst v63  }
0x14: {  	_ =	swait.ge [sflag:s10], $0x2800  }
0x15: {  	[sflag:s10] =	ssyncset.done $0x0  }
0x16: {  	[sflag:s10] =	ssyncadd.s32 $0xFFFFD800  }
0x17: {  	[spmem:s13], [sflag:s12] =	dma.local [hbm:s5], $0x2780  }
0x18: {  	_ =	swait.ge [sflag:s10], $0x2780  }
0x19: {  	[sflag:s10] =	ssyncset.done $0x0  }
0x1a: {  	[sflag:s10] =	ssyncadd.s32 $0xFFFFD880  }
0x1b: {  	s18 =	simm.s32 $0x0;
	[bflag:$0x0] =	sbarrier.arrive $0xFFFF  }
0x1c: {  	[tilespmem:s15], [sflag:$0x1] =	stream.indirect.gather [hbm4b:s4+s14], $0x80, s18, s14, $0xb8;
	[tilespmem:$0x1CC00] =	vst v63  }
0x1d: {  	_ =	swait.ge [sflag:s16], $0x4000  }
0x1e: {  	[sflag:s16] =	ssyncset.done $0x0  }
0x1f: {  	s31 =	simm.s32 $0x2800;
	[sflag:s16] =	ssyncadd.s32 $0xFFFFC000  }
0x20: {  	[spmem:s2] =	stream.indirect.scatter.add.f32 [tilespmem:s15], [sflag:$0x2], $0x80, s31, s14, $0xb8;
	[tilespmem:$0x1CC00] =	vst v63  }
0x21: {  	_ =	swait.ge [sflag:s10], $0x4000  }
0x22: {  	s19 =	simm.s32 $0x400;
	s18 =	simm.s32 $0x200;
	[sflag:s10] =	ssyncset.done $0x0  }
.LBB2_2:
0x23: {  	s20 =	sshra.s32 s18, $0x2  }
0x24: {  	[sflag:s10] =	ssyncadd.s32 $0xFFFFC000;
	s18 =	smov.u32 s19;
	s21 =	sadd.s32 $0x200, s19  }
0x25: {  	[tilespmem:s15], [sflag:$0x1] =	stream.indirect.gather [hbm4b:s4+s14], $0x80, s20, s14, $0xb8;
	[tilespmem:$0x1CC00] =	vst v63  }
0x26: {  	p0 =	sne.s32 s19, $0x9E00;
	_ =	swait.ge [sflag:s16], $0x4000  }
.Ltmp0:
0x27: {  	[sflag:s16] =	ssyncset.done $0x0;
	(pc) =	sbr.rel @p0 .LBB2_2-.Ltmp0, $4  }
0x28: {  	s19 =	sadd.s32 $0x2800, s20;
	[sflag:s16] =	ssyncadd.s32 $0xFFFFC000  }
0x29: {  	[spmem:s2] =	stream.indirect.scatter.add.f32 [tilespmem:s15], [sflag:$0x2], $0x80, s19, s14, $0xb8;
	[tilespmem:$0x1CC00] =	vst v63  }
0x2a: {  	_ =	swait.ge [sflag:s10], $0x4000  }
0x2b: {  	s19 =	smov.u32 s21;
	[sflag:s10] =	ssyncset.done $0x0  }
0x2c: {  	s18 =	sshra.s32 s18, $0x2;
	[sflag:s10] =	ssyncadd.s32 $0xFFFFC000  }
0x2d: {  	[tilespmem:s15], [sflag:$0x1] =	stream.indirect.gather [hbm4b:s4+s14], $0x80, s18, s14, $0xb8;
	[tilespmem:$0x1CC00] =	vst v63  }
0x2e: {  	_ =	swait.ge [sflag:s16], $0x4000  }
0x2f: {  	[sflag:s16] =	ssyncset.done $0x0  }
0x30: {  	s18 =	sadd.s32 $0x2800, s18;
	[sflag:s16] =	ssyncadd.s32 $0xFFFFC000  }
0x31: {  	[spmem:s2] =	stream.indirect.scatter.add.f32 [tilespmem:s15], [sflag:$0x2], $0x80, s18, s14, $0xb8;
	[tilespmem:$0x1CC00] =	vst v63  }
0x32: {  	_ =	swait.ge [sflag:s10], $0x4000  }
0x33: {  	s17 =	sadd.s32 $0x1, s17;
	[sflag:s10] =	ssyncset.done $0x0  }
0x34: {  	p0 =	sne.s32 s17, s9;
	[sflag:s10] =	ssyncadd.s32 $0xFFFFC000  }
.Ltmp1:
0x35: {  	[bflag:$0x0] =	sbarrier.arrive $0xFFFF;
	(pc) =	sbr.rel @p0 .LBB2_1-.Ltmp1, $4  }
0x36: {  	[hbm:s8], [sflag:s12] =	dma.local [spmem:s13], $0x2780  }
0x37: {  	_ =	swait.ge [sflag:s10], $0x2780  }
0x38: {  	[sflag:s10] =	ssyncset.done $0x0  }
0x39: {  	[sflag:s10] =	ssyncadd.s32 $0xFFFFD880  }
0x3a: {  	_ =	sfence.sel $0x180000  }
0x3b: {  	[bflag:$0x0] =	sbarrier.arrive $0xFFFF  }
0x3c: {  	p0 =	sne.s32 s0, $0x0;
	_ =	strace $0x9000004A  }
0x3d: {  	s0 =	sadd.s32 @!p0 $0x100000, s1;
	[bflag:$0x2] =	sbarrier.arrive $0xFFFF  }
0x3e: {  	[sflag:s0] =	ssyncadd.tile.s32 @!p0 $0x1;
	_ =	shalt  }
.Lfunc_end2:
_tile_overlayer_lowered:
.L_overlay_start_2:
0x3f: {  	(tag) =	ssettag $0x2  }
0x40: {  	s0 =	rddreg [dreg:$0x0];
	s2 =	stileid.u32  }
0x41: {  	s1 =	rddreg [dreg:$0x1];
	p0 =	sne.s32 s2, $0x0  }
0x42: {  	s3 =	rddreg [dreg:$0x2];
	[bflag:$0x3] =	sbarrier.arrive $0xFFFF;
	s2 =	simm.s32 @!p0 $0x1C02  }
0x43: {  	[timem:s3], [sflag:s2] =	dma.local @!p0 [hbm:s0], s1  }
0x44: {  	s0 =	simm.s32 @!p0 $0x2  }
0x45: {  	_ =	swait.ge @!p0 [sflag:s0], s1  }
0x46: {  	s1 =	ssub.s32 @!p0 $0x0, s1;
	[sflag:s0] =	ssyncset.done @!p0 $0x0  }
0x47: {  	[sflag:s0] =	ssyncadd.s32 @!p0 s1  }
0x48: {  	[bflag:$0x3] =	sbarrier.arrive $0xFFFF  }
0x49: {  	_ =	shalt  }

// kernel: kernel.14.cloned.1.call-start
scs
__scs_entry_jumppad:
0x0: {  	(pc) =	sbr.rel $0x88, $3  }
0x1: {  	(tag) =	ssettag $0x0;
	lr =	simm.s32 $0x1  }
0x2: {  	[smem:$0x3F78] =	sst lr;
	_ =	strace $0xD0000000  }
0x3: {  	_ = 	snop  }
0x4: {  	_ = 	snop  }
0x5: {  	_ = 	snop  }
0x6: {  	_ = 	snop  }
0x7: {  	_ = 	snop  }
__scs_overlays_trampoline_lowered:
0x8: {  	[smem:$0x3F87] =	sst s0  }
0x9: {  	[smem:$0x3F88] =	sst s1  }
0xa: {  	[smem:$0x3F89] =	sst s2  }
0xb: {  	[smem:$0x3F8A] =	sst s3  }
0xc: {  	[smem:$0x3F8B] =	sst s4  }
0xd: {  	[smem:$0x3F8C] =	sst s5  }
0xe: {  	[smem:$0x3F8D] =	sst s6  }
0xf: {  	[smem:$0x3F8E] =	sst s7  }
0x10: {  	[smem:$0x3F8F] =	sst s8  }
0x11: {  	[smem:$0x3F90] =	sst s9;
	s0 =	simm.s32 @!p0 $0x0  }
0x12: {  	s1 =	sld [smem:$0x3F76];
	s0 =	simm.s32 @p0 $0x1  }
0x13: {  	[smem:$0x3F91] =	sst s0;
	s0 =	simm.s32 @!p1 $0x0  }
0x14: {  	s2 =	sld [smem:$0x3F75];
	s0 =	simm.s32 @p1 $0x1  }
0x15: {  	[smem:$0x3F92] =	sst s0;
	s0 =	simm.s32 @!p2 $0x0  }
0x16: {  	s3 =	sld [smem:$0x3FDB];
	s0 =	simm.s32 @p2 $0x1  }
0x17: {  	s4 =	simm.s32 $0x1BF5;
	[smem:$0x3F94] =	sst s0  }
0x18: {  	s0 =	sld [smem:$0x3F77];
	_ =	swait.ge [sflag:s4], $0x0  }
0x19: {  	s7 =	sld [smem:$0x3F78]  }
0x1a: {  	s8 =	sadd.s32 $0xFFFFE003, lr  }
0x1b: {  	s9 =	sadd.s32 $0xFFFFFEF7, lr;
	s5 =	simm.s32 $0xFFFFFFFF;
	p2 =	slt.u32 s8, $0xFFFFF086  }
0x1c: {  	p1 =	slt.u32 s9, $0xF7A;
	s5 =	simm.s32 @!p2 $0x0  }
0x1d: {  	s5 =	simm.s32 @p1 $0x1;
	p0 =	seq.s32 s7, s2  }
0x1e: {  	s7 =	smul.u32 @!p0 $0xF7A, s2;
	p2 =	seq.s32 @!p0 s5, $0x0  }
0x1f: {  	s9 =	smul.u32 $0xF7A, s1;
	s8 =	simm.s32 @!p0 $0x1BF5;
	p2 =	por !p2, p0  }
0x20: {  	[sflag:s8] =	ssyncset.s32 @!p0 $0xFFFFF086;
	s6 =	sadd.s32 @!p0 s3, s7;
	s7 =	simm.s32 @!p0 $0x108  }
0x21: {  	s3 =	sadd.s32 s3, s9;
	s6 =	sadd.s32 @!p0 $0x88, s6;
	s7 =	simm.s32 @p2 $0x1082  }
0x22: {  	[simem:s7], [sflag:s8] =	dma.local @!p0 [hbm:s6], $0xF7A  }
0x23: {  	s9 =	sor.u32 $0xD0000000, s2;
	s6 =	simm.s32 $0x108;
	_ =	swait.ge @!p0 [sflag:s8], $0x0  }
0x24: {  	s3 =	sadd.s32 $0x88, s3;
	s6 =	simm.s32 @!p1 $0x1082;
	[sflag:s4] =	ssyncset.s32 $0xFFFFF086  }
0x25: {  	[simem:s6], [sflag:s4] =	dma.local [hbm:s3], $0xF7A  }
0x26: {  	[smem:$0x3F78] =	sst s1;
	(tag) =	ssettag s2;
	_ =	strace s9  }
0x27: {  	s1 =	sld [smem:$0x3F88]  }
0x28: {  	s2 =	sld [smem:$0x3F89]  }
0x29: {  	s4 =	sld [smem:$0x3F8B]  }
0x2a: {  	p0 =	seq.s32 s5, $0x0;
	s5 =	sld [smem:$0x3F8C]  }
0x2b: {  	s6 =	sld [smem:$0x3F8D]  }
0x2c: {  	s7 =	sld [smem:$0x3F8E]  }
0x2d: {  	s3 =	simm.s32 $0x108;
	s8 =	sld [smem:$0x3F8F]  }
0x2e: {  	s3 =	simm.s32 @!p0 $0x1082;
	s9 =	sld [smem:$0x3F90]  }
0x2f: {  	lr =	sadd.s32 s0, s3;
	s0 =	sld [smem:$0x3F87]  }
0x30: {  	s3 =	sld [smem:$0x3F8A]  }
0x31: {  	[smem:$0x3F93] =	sst s10  }
0x32: {  	s10 =	sld [smem:$0x3F91];
	_ =	sdelay $0x3  }
0x33: {  	p0 =	seq.s32 s10, $0x1;
	s10 =	sld [smem:$0x3F93];
	_ =	sdelay $0x3  }
0x34: {  	[smem:$0x3F93] =	sst s10  }
0x35: {  	s10 =	sld [smem:$0x3F92];
	_ =	sdelay $0x3  }
0x36: {  	p1 =	seq.s32 s10, $0x1;
	s10 =	sld [smem:$0x3F93];
	_ =	sdelay $0x3  }
0x37: {  	[smem:$0x3F93] =	sst s10  }
0x38: {  	s10 =	sld [smem:$0x3F94]  }
0x39: {  	_ = 	snop;
	(pc) =	sbr.ind lr, $3  }
0x3a: {  	_ = 	snop  }
0x3b: {  	_ = 	snop  }
0x3c: {  	p2 =	seq.s32 s10, $0x1;
	s10 =	sld [smem:$0x3F93]  }
0x3d: {  	_ =	shalt  }
0x3e: {  	_ =	shalt  }
0x3f: {  	_ =	shalt  }
0x40: {  	_ =	shalt  }
0x41: {  	_ =	shalt  }
0x42: {  	_ =	shalt  }
0x43: {  	_ =	shalt  }
0x44: {  	_ =	shalt  }
0x45: {  	_ =	shalt  }
0x46: {  	_ =	shalt  }
0x47: {  	_ =	shalt  }
0x48: {  	_ =	shalt  }
0x49: {  	_ =	shalt  }
0x4a: {  	_ =	shalt  }
0x4b: {  	_ =	shalt  }
0x4c: {  	_ =	shalt  }
0x4d: {  	_ =	shalt  }
0x4e: {  	_ =	shalt  }
0x4f: {  	_ =	shalt  }
0x50: {  	_ =	shalt  }
0x51: {  	_ =	shalt  }
0x52: {  	_ =	shalt  }
0x53: {  	_ =	shalt  }
0x54: {  	_ =	shalt  }
0x55: {  	_ =	shalt  }
0x56: {  	_ =	shalt  }
0x57: {  	_ =	shalt  }
0x58: {  	_ =	shalt  }
0x59: {  	_ =	shalt  }
0x5a: {  	_ =	shalt  }
0x5b: {  	_ =	shalt  }
0x5c: {  	_ =	shalt  }
0x5d: {  	_ =	shalt  }
0x5e: {  	_ =	shalt  }
0x5f: {  	_ =	shalt  }
0x60: {  	_ =	shalt  }
0x61: {  	_ =	shalt  }
0x62: {  	_ =	shalt  }
0x63: {  	_ =	shalt  }
0x64: {  	_ =	shalt  }
0x65: {  	_ =	shalt  }
0x66: {  	_ =	shalt  }
0x67: {  	_ =	shalt  }
0x68: {  	_ =	shalt  }
0x69: {  	_ =	shalt  }
0x6a: {  	_ =	shalt  }
0x6b: {  	_ =	shalt  }
0x6c: {  	_ =	shalt  }
0x6d: {  	_ =	shalt  }
0x6e: {  	_ =	shalt  }
0x6f: {  	_ =	shalt  }
0x70: {  	_ =	shalt  }
0x71: {  	_ =	shalt  }
0x72: {  	_ =	shalt  }
0x73: {  	_ =	shalt  }
0x74: {  	_ =	shalt  }
0x75: {  	_ =	shalt  }
0x76: {  	_ =	shalt  }
0x77: {  	_ =	shalt  }
0x78: {  	_ =	shalt  }
0x79: {  	_ =	shalt  }
0x7a: {  	_ =	shalt  }
0x7b: {  	_ =	shalt  }
0x7c: {  	_ =	shalt  }
0x7d: {  	_ =	shalt  }
0x7e: {  	_ =	shalt  }
0x7f: {  	_ =	shalt  }
0x80: {  	_ =	shalt  }
0x81: {  	_ =	shalt  }
0x82: {  	_ =	shalt  }
0x83: {  	_ =	shalt  }
0x84: {  	_ =	shalt  }
0x85: {  	_ =	shalt  }
0x86: {  	_ =	shalt  }
0x87: {  	_ =	shalt  }
.Lfunc_end0:
.L_simem_size_0:
called_computation.2_lowered:
.L_overlay_start_0:
0x88: {  	s2 =	sld [smem:$0x3FD9]  }
0x89: {  	s3 =	sld [smem:$0x3FFE];
	_ =	sdelay $0x1  }
0x8a: {  	s1 =	srdreg.scid  }
0x8b: {  	s0 =	sand.u32 $0x1, s1  }
0x8c: {  	s17 =	sshll.u32 s0, $0xA;
	s2 =	sadd.s32 s3, s2  }
0x8d: {  	s2 =	sadd.s32 s2, s17  }
0x8e: {  	[smem:$0x3F9F] =	sst s2  }
0x8f: {  	_ = 	snop  }
0x90: {  	s2 =	sld [smem:$0x3FC9];
	(tm) =	ssettm $0x1  }
0x91: {  	s18 =	sld [smem:$0x3FFB];
	_ =	sdelay $0x3  }
0x92: {  	_ =	strace s18  }
0x93: {  	s3 =	sld [smem:$0x3FFC];
	_ =	sdelay $0x3  }
0x94: {  	_ =	strace s3  }
0x95: {  	s3 =	sld [smem:$0x3FFD];
	_ =	sdelay $0x3  }
0x96: {  	_ =	strace s3  }
0x97: {  	_ =	strace $0x8FFFFFFF  }
0x98: {  	s19 =	sld [smem:$0x3FDB];
	_ =	sdelay $0x1  }
0x99: {  	s4 =	simm.s32 $_scs_section_size  }
0x9a: {  	s5 =	simm.s32 $_size__tile_overlayer_lowered;
	s6 =	simm.s32 $_tile_overlayer_lowered  }
0x9b: {  	s22 =	simm.s32 $0x1BFF;
	s21 =	sshll.u32 s6, $0x1;
	s3 =	sadd.s32 s4, s19  }
0x9c: {  	s7 =	simm.s32 $0x0;
	s20 =	sshll.u32 s5, $0x1;
	s5 =	sadd.s32 s21, s3  }
0x9d: {  	[timem:s7], [sflag:s22] =	dma.local [hbm:s5], s20  }
0x9e: {  	_ =	swait.ge [sflag:s22], s20  }
0x9f: {  	s4 =	ssub.s32 $0x0, s20;
	[sflag:s22] =	ssyncset.done $0x0  }
0xa0: {  	[sflag:s22] =	ssyncadd.s32 s4;
	_ =	sdelay $0x1  }
0xa1: {  	s23 =	simm.s32 $0x1B8B  }
0xa2: {  	_ =	swait.ge [sflag:s23], $0x1  }
0xa3: {  	[sflag:s23] =	ssyncset.done $0x0  }
0xa4: {  	s25 =	simm.s32 $0x1B8E;
	s24 =	sld [smem:$0x3FFE];
	[sflag:s23] =	ssyncadd.s32 $0xFFFFFFFF  }
0xa5: {  	s26 =	simm.s32 $execute0_lowered;
	[smem:$0x3FD2] =	sst s25  }
0xa6: {  	s5 =	sshll.u32 s26, $0x1;
	_ =	strace $0x8000004C;
	[dreg:$0x1] =	wrdreg $0xFFFFFFFF  }
0xa7: {  	s28 =	simm.s32 $_size_execute0_lowered;
	s3 =	sadd.s32 s3, s5;
	[dreg:$0x0] =	wrdreg $0x0  }
0xa8: {  	s5 =	sshll.u32 s28, $0x1;
	[dreg:$0x2] =	wrdreg s3  }
0xa9: {  	[dreg:$0x3] =	wrdreg s5  }
0xaa: {  	[dreg:$0x4] =	wrdreg $0xC0  }
0xab: {  	_ =	task [dreg:s7], $0x5FFFF  }
0xac: {  	[dreg:$0x1] =	wrdreg $0xFFFFFFFF  }
0xad: {  	[dreg:$0x0] =	wrdreg $0x60  }
0xae: {  	[dreg:$0x2] =	wrdreg s24  }
0xaf: {  	[dreg:$0x3] =	wrdreg s2  }
0xb0: {  	[dreg:$0x4] =	wrdreg $0x9  }
0xb1: {  	_ =	task.clear_ibuf [dreg:s7], $0x5FFFF;
	_ =	strace $0x9000004C  }
0xb2: {  	s29 =	simm.s32 $0x9;
	_ =	strace $0x8000004E  }
0xb3: {  	_ =	swait.ge [sflag:s29], $0x1  }
0xb4: {  	[sflag:s29] =	ssyncadd.s32 $0xFFFFFFFF  }
0xb5: {  	_ =	strace $0x9000004E  }
0xb6: {  	_ =	sfence  }
0xb7: {  	s30 =	sld [smem:$0x0];
	_ =	sdelay $0x2  }
0xb8: {  	s31 =	sshll.u32 s1, $0xD;
	s1 =	sshrl.u32 s1, $0x2  }
0xb9: {  	s3 =	sand.u32 $0x4000, s31;
	s1 =	sadd.s32 s1, s30  }
0xba: {  	s0 =	sor.u32 s3, s0;
	s1 =	sshll.u32 s1, $0x11  }
0xbb: {  	s0 =	sor.u32 s1, s0  }
0xbc: {  	s0 =	sadd.s32 $0x8F2B, s0  }
0xbd: {  	[sflag:s0] =	ssyncadd.remote.s32 $0x1  }
0xbe: {  	_ =	sfence.sel $0xFFFF  }
0xbf: {  	[dreg:$0x0] =	wrdreg $0xFFFFFFFF;
	(pc) =	sbr.abs _section_cstart, $3  }
0xc0: {  	[dreg:$0x1] =	wrdreg $0xFFFFFFFF  }
0xc1: {  	_ =	task.clear_ibuf [dreg:s7], $0x2FFFF;
	_ =	strace $0x9FFFFFFF  }
0xc2: {  	(tm) =	ssettm $0x7FFFFFFF  }
0xc3: {  	_ =	shalt  }
tec
execute0_lowered:
.L_overlay_start_1:
0x0: {  	(tag) =	ssettag $0x1  }
0x1: {  	s1 =	srdreg.scid;
	s9 =	rddreg [dreg:$0x0]  }
0x2: {  	s0 =	stileid.u32;
	s3 =	rddreg [dreg:$0x1]  }
0x3: {  	s2 =	simm.s32 $0x0;
	s7 =	simm.s32 $0x80;
	s6 =	sand.u32 $0x1, s1  }
0x4: {  	s4 =	sshll.u32 s0, $0x6;
	s1 =	rddreg [dreg:$0x2];
	s5 =	sshll.u32 s6, $0x5  }
0x5: {  	s8 =	simm.s32 $0x1;
	[smem:$0x7FF] =	sst s2;
	s10 =	sor.u32 s5, s4  }
0x6: {  	_ =	strace $0x8000004D;
	s11 =	ssub.s32 $0x2, s6;
	s4 =	sshrl.u32 s10, $0x3  }
0x7: {  	s6 =	simm.s32 $0x20;
	s4 =	sadd.s32 s3, s4;
	s3 =	simm.s32 $0x2  }
0x8: {  	[tilespmem:s2], [sflag:$0x2] =	stream.linear.gather [hbm4b:s4+s2], $0x20, $0x38;
	[tilespmem:$0x1080] =	vst v63  }
0x9: {  	s5 =	sadd.s32 $0x6200, s9;
	s12 =	sshrl.u32 s11, $0x1;
	_ =	swait.ge [sflag:s3], $0x20  }
0xa: {  	s10 =	sshll.u32 s10, $0x4;
	s31 =	ssub.s32 s11, s12;
	[sflag:s3] =	ssyncset.done $0x0  }
0xb: {  	s9 =	sadd.s32 s10, s9;
	s10 =	smax.u32 s31, $0x1;
	[sflag:s3] =	ssyncadd.s32 $0xFFFFFFE0  }
0xc: {  	[tilespmem:s7], [sflag:$0x1] =	stream.indirect.gather [hbm4b:s5+s6], $0x80, s2, s6, $0xb8;
	[tilespmem:$0x1080] =	vst v63  }
0xd: {  	p0 =	sne.s32 s10, $0x1;
	_ =	swait.ge [sflag:s8], $0x1000  }
.Ltmp0:
0xe: {  	[sflag:s8] =	ssyncset.done $0x0;
	(pc) =	sbr.rel @!p0 .LBB2_2-.Ltmp0, $4  }
0xf: {  	s9 =	sadd.s32 $0x2D400, s9;
	[sflag:s8] =	ssyncadd.s32 $0xFFFFF000  }
0x10: {  	[hbm4b:s9+s2] =	stream.linear.scatter [tilespmem:s7], [sflag:$0x2], $0x1000, $0x38;
	[tilespmem:$0x1080] =	vst v63  }
0x11: {  	_ =	swait.ge [sflag:s3], $0x1000  }
0x12: {  	s10 =	sadd.s32 $0xFFFFFFFF, s10;
	[sflag:s3] =	ssyncset.done $0x0  }
.LBB2_1:
0x13: {  	p0 =	sne.s32 s10, $0x1;
	s10 =	sadd.s32 $0xFFFFFFFF, s10;
	[sflag:s3] =	ssyncadd.s32 $0xFFFFF000  }
0x14: {  	[tilespmem:s2], [sflag:$0x2] =	stream.linear.gather [hbm4b:s4+s2], $0x20, $0x38;
	[tilespmem:$0x1080] =	vst v63  }
0x15: {  	_ =	swait.ge [sflag:s3], $0x20  }
0x16: {  	[sflag:s3] =	ssyncset.done $0x0  }
0x17: {  	[sflag:s3] =	ssyncadd.s32 $0xFFFFFFE0  }
0x18: {  	[tilespmem:s7], [sflag:$0x1] =	stream.indirect.gather [hbm4b:s5+s6], $0x80, s2, s6, $0xb8;
	[tilespmem:$0x1080] =	vst v63  }
0x19: {  	_ =	swait.ge [sflag:s8], $0x1000  }
.Ltmp1:
0x1a: {  	[sflag:s8] =	ssyncset.done $0x0;
	(pc) =	sbr.rel @p0 .LBB2_1-.Ltmp1, $4  }
0x1b: {  	[sflag:s8] =	ssyncadd.s32 $0xFFFFF000  }
0x1c: {  	[hbm4b:s9+s2] =	stream.linear.scatter [tilespmem:s7], [sflag:$0x2], $0x1000, $0x38;
	[tilespmem:$0x1080] =	vst v63  }
0x1d: {  	_ =	swait.ge [sflag:s3], $0x1000  }
0x1e: {  	[sflag:s3] =	ssyncset.done $0x0  }
.LBB2_2:
0x1f: {  	[sflag:s3] =	ssyncadd.s32 $0xFFFFF000  }
0x20: {  	_ =	sfence.sel $0x180000  }
0x21: {  	[bflag:$0x0] =	sbarrier.arrive $0xFFFF  }
0x22: {  	p0 =	sne.s32 s0, $0x0;
	_ =	strace $0x9000004D  }
0x23: {  	s0 =	sadd.s32 @!p0 $0x100000, s1;
	[bflag:$0x2] =	sbarrier.arrive $0xFFFF  }
0x24: {  	[sflag:s0] =	ssyncadd.tile.s32 @!p0 $0x1;
	_ =	shalt  }
.Lfunc_end2:
_tile_overlayer_lowered:
.L_overlay_start_2:
0x25: {  	(tag) =	ssettag $0x2  }
0x26: {  	s0 =	rddreg [dreg:$0x0];
	s2 =	stileid.u32  }
0x27: {  	s1 =	rddreg [dreg:$0x1];
	p0 =	sne.s32 s2, $0x0  }
0x28: {  	s3 =	rddreg [dreg:$0x2];
	[bflag:$0x3] =	sbarrier.arrive $0xFFFF;
	s2 =	simm.s32 @!p0 $0x1C02  }
0x29: {  	[timem:s3], [sflag:s2] =	dma.local @!p0 [hbm:s0], s1  }
0x2a: {  	s0 =	simm.s32 @!p0 $0x2  }
0x2b: {  	_ =	swait.ge @!p0 [sflag:s0], s1  }
0x2c: {  	s1 =	ssub.s32 @!p0 $0x0, s1;
	[sflag:s0] =	ssyncset.done @!p0 $0x0  }
0x2d: {  	[sflag:s0] =	ssyncadd.s32 @!p0 s1  }
0x2e: {  	[bflag:$0x3] =	sbarrier.arrive $0xFFFF  }
0x2f: {  	_ =	shalt  }

// kernel: kernel.8.cloned.1.call-start
scs
__scs_entry_jumppad:
0x0: {  	(pc) =	sbr.rel $0x88, $3  }
0x1: {  	(tag) =	ssettag $0x0;
	lr =	simm.s32 $0x1  }
0x2: {  	[smem:$0x3F78] =	sst lr;
	_ =	strace $0xD0000000  }
0x3: {  	_ = 	snop  }
0x4: {  	_ = 	snop  }
0x5: {  	_ = 	snop  }
0x6: {  	_ = 	snop  }
0x7: {  	_ = 	snop  }
__scs_overlays_trampoline_lowered:
0x8: {  	[smem:$0x3F87] =	sst s0  }
0x9: {  	[smem:$0x3F88] =	sst s1  }
0xa: {  	[smem:$0x3F89] =	sst s2  }
0xb: {  	[smem:$0x3F8A] =	sst s3  }
0xc: {  	[smem:$0x3F8B] =	sst s4  }
0xd: {  	[smem:$0x3F8C] =	sst s5  }
0xe: {  	[smem:$0x3F8D] =	sst s6  }
0xf: {  	[smem:$0x3F8E] =	sst s7  }
0x10: {  	[smem:$0x3F8F] =	sst s8  }
0x11: {  	[smem:$0x3F90] =	sst s9;
	s0 =	simm.s32 @!p0 $0x0  }
0x12: {  	s1 =	sld [smem:$0x3F76];
	s0 =	simm.s32 @p0 $0x1  }
0x13: {  	[smem:$0x3F91] =	sst s0;
	s0 =	simm.s32 @!p1 $0x0  }
0x14: {  	s2 =	sld [smem:$0x3F75];
	s0 =	simm.s32 @p1 $0x1  }
0x15: {  	[smem:$0x3F92] =	sst s0;
	s0 =	simm.s32 @!p2 $0x0  }
0x16: {  	s3 =	sld [smem:$0x3FDB];
	s0 =	simm.s32 @p2 $0x1  }
0x17: {  	s4 =	simm.s32 $0x1BF5;
	[smem:$0x3F94] =	sst s0  }
0x18: {  	s0 =	sld [smem:$0x3F77];
	_ =	swait.ge [sflag:s4], $0x0  }
0x19: {  	s7 =	sld [smem:$0x3F78]  }
0x1a: {  	s8 =	sadd.s32 $0xFFFFE003, lr  }
0x1b: {  	s9 =	sadd.s32 $0xFFFFFEF7, lr;
	s5 =	simm.s32 $0xFFFFFFFF;
	p2 =	slt.u32 s8, $0xFFFFF086  }
0x1c: {  	p1 =	slt.u32 s9, $0xF7A;
	s5 =	simm.s32 @!p2 $0x0  }
0x1d: {  	s5 =	simm.s32 @p1 $0x1;
	p0 =	seq.s32 s7, s2  }
0x1e: {  	s7 =	smul.u32 @!p0 $0xF7A, s2;
	p2 =	seq.s32 @!p0 s5, $0x0  }
0x1f: {  	s9 =	smul.u32 $0xF7A, s1;
	s8 =	simm.s32 @!p0 $0x1BF5;
	p2 =	por !p2, p0  }
0x20: {  	[sflag:s8] =	ssyncset.s32 @!p0 $0xFFFFF086;
	s6 =	sadd.s32 @!p0 s3, s7;
	s7 =	simm.s32 @!p0 $0x108  }
0x21: {  	s3 =	sadd.s32 s3, s9;
	s6 =	sadd.s32 @!p0 $0x88, s6;
	s7 =	simm.s32 @p2 $0x1082  }
0x22: {  	[simem:s7], [sflag:s8] =	dma.local @!p0 [hbm:s6], $0xF7A  }
0x23: {  	s9 =	sor.u32 $0xD0000000, s2;
	s6 =	simm.s32 $0x108;
	_ =	swait.ge @!p0 [sflag:s8], $0x0  }
0x24: {  	s3 =	sadd.s32 $0x88, s3;
	s6 =	simm.s32 @!p1 $0x1082;
	[sflag:s4] =	ssyncset.s32 $0xFFFFF086  }
0x25: {  	[simem:s6], [sflag:s4] =	dma.local [hbm:s3], $0xF7A  }
0x26: {  	[smem:$0x3F78] =	sst s1;
	(tag) =	ssettag s2;
	_ =	strace s9  }
0x27: {  	s1 =	sld [smem:$0x3F88]  }
0x28: {  	s2 =	sld [smem:$0x3F89]  }
0x29: {  	s4 =	sld [smem:$0x3F8B]  }
0x2a: {  	p0 =	seq.s32 s5, $0x0;
	s5 =	sld [smem:$0x3F8C]  }
0x2b: {  	s6 =	sld [smem:$0x3F8D]  }
0x2c: {  	s7 =	sld [smem:$0x3F8E]  }
0x2d: {  	s3 =	simm.s32 $0x108;
	s8 =	sld [smem:$0x3F8F]  }
0x2e: {  	s3 =	simm.s32 @!p0 $0x1082;
	s9 =	sld [smem:$0x3F90]  }
0x2f: {  	lr =	sadd.s32 s0, s3;
	s0 =	sld [smem:$0x3F87]  }
0x30: {  	s3 =	sld [smem:$0x3F8A]  }
0x31: {  	[smem:$0x3F93] =	sst s10  }
0x32: {  	s10 =	sld [smem:$0x3F91];
	_ =	sdelay $0x3  }
0x33: {  	p0 =	seq.s32 s10, $0x1;
	s10 =	sld [smem:$0x3F93];
	_ =	sdelay $0x3  }
0x34: {  	[smem:$0x3F93] =	sst s10  }
0x35: {  	s10 =	sld [smem:$0x3F92];
	_ =	sdelay $0x3  }
0x36: {  	p1 =	seq.s32 s10, $0x1;
	s10 =	sld [smem:$0x3F93];
	_ =	sdelay $0x3  }
0x37: {  	[smem:$0x3F93] =	sst s10  }
0x38: {  	s10 =	sld [smem:$0x3F94]  }
0x39: {  	_ = 	snop;
	(pc) =	sbr.ind lr, $3  }
0x3a: {  	_ = 	snop  }
0x3b: {  	_ = 	snop  }
0x3c: {  	p2 =	seq.s32 s10, $0x1;
	s10 =	sld [smem:$0x3F93]  }
0x3d: {  	_ =	shalt  }
0x3e: {  	_ =	shalt  }
0x3f: {  	_ =	shalt  }
0x40: {  	_ =	shalt  }
0x41: {  	_ =	shalt  }
0x42: {  	_ =	shalt  }
0x43: {  	_ =	shalt  }
0x44: {  	_ =	shalt  }
0x45: {  	_ =	shalt  }
0x46: {  	_ =	shalt  }
0x47: {  	_ =	shalt  }
0x48: {  	_ =	shalt  }
0x49: {  	_ =	shalt  }
0x4a: {  	_ =	shalt  }
0x4b: {  	_ =	shalt  }
0x4c: {  	_ =	shalt  }
0x4d: {  	_ =	shalt  }
0x4e: {  	_ =	shalt  }
0x4f: {  	_ =	shalt  }
0x50: {  	_ =	shalt  }
0x51: {  	_ =	shalt  }
0x52: {  	_ =	shalt  }
0x53: {  	_ =	shalt  }
0x54: {  	_ =	shalt  }
0x55: {  	_ =	shalt  }
0x56: {  	_ =	shalt  }
0x57: {  	_ =	shalt  }
0x58: {  	_ =	shalt  }
0x59: {  	_ =	shalt  }
0x5a: {  	_ =	shalt  }
0x5b: {  	_ =	shalt  }
0x5c: {  	_ =	shalt  }
0x5d: {  	_ =	shalt  }
0x5e: {  	_ =	shalt  }
0x5f: {  	_ =	shalt  }
0x60: {  	_ =	shalt  }
0x61: {  	_ =	shalt  }
0x62: {  	_ =	shalt  }
0x63: {  	_ =	shalt  }
0x64: {  	_ =	shalt  }
0x65: {  	_ =	shalt  }
0x66: {  	_ =	shalt  }
0x67: {  	_ =	shalt  }
0x68: {  	_ =	shalt  }
0x69: {  	_ =	shalt  }
0x6a: {  	_ =	shalt  }
0x6b: {  	_ =	shalt  }
0x6c: {  	_ =	shalt  }
0x6d: {  	_ =	shalt  }
0x6e: {  	_ =	shalt  }
0x6f: {  	_ =	shalt  }
0x70: {  	_ =	shalt  }
0x71: {  	_ =	shalt  }
0x72: {  	_ =	shalt  }
0x73: {  	_ =	shalt  }
0x74: {  	_ =	shalt  }
0x75: {  	_ =	shalt  }
0x76: {  	_ =	shalt  }
0x77: {  	_ =	shalt  }
0x78: {  	_ =	shalt  }
0x79: {  	_ =	shalt  }
0x7a: {  	_ =	shalt  }
0x7b: {  	_ =	shalt  }
0x7c: {  	_ =	shalt  }
0x7d: {  	_ =	shalt  }
0x7e: {  	_ =	shalt  }
0x7f: {  	_ =	shalt  }
0x80: {  	_ =	shalt  }
0x81: {  	_ =	shalt  }
0x82: {  	_ =	shalt  }
0x83: {  	_ =	shalt  }
0x84: {  	_ =	shalt  }
0x85: {  	_ =	shalt  }
0x86: {  	_ =	shalt  }
0x87: {  	_ =	shalt  }
.Lfunc_end0:
.L_simem_size_0:
called_computation_lowered:
.L_overlay_start_0:
0x88: {  	s2 =	sld [smem:$0x3FD9]  }
0x89: {  	s3 =	sld [smem:$0x3FFE];
	_ =	sdelay $0x1  }
0x8a: {  	s1 =	srdreg.scid  }
0x8b: {  	s0 =	sand.u32 $0x1, s1  }
0x8c: {  	s16 =	sshll.u32 s0, $0xA;
	s2 =	sadd.s32 s3, s2  }
0x8d: {  	s2 =	sadd.s32 s2, s16  }
0x8e: {  	[smem:$0x3F9F] =	sst s2  }
0x8f: {  	_ = 	snop  }
0x90: {  	(tm) =	ssettm $0x1  }
0x91: {  	s17 =	sld [smem:$0x3FFB];
	_ =	sdelay $0x3  }
0x92: {  	_ =	strace s17  }
0x93: {  	s2 =	sld [smem:$0x3FFC];
	_ =	sdelay $0x3  }
0x94: {  	_ =	strace s2  }
0x95: {  	s2 =	sld [smem:$0x3FFD];
	_ =	sdelay $0x3  }
0x96: {  	_ =	strace s2  }
0x97: {  	_ =	strace $0x8FFFFFFF  }
0x98: {  	s18 =	sld [smem:$0x3FDB];
	_ =	sdelay $0x1  }
0x99: {  	s19 =	simm.s32 $_scs_section_size  }
0x9a: {  	s4 =	simm.s32 $_size__tile_overlayer_lowered;
	s5 =	simm.s32 $_tile_overlayer_lowered  }
0x9b: {  	s22 =	simm.s32 $0x1BFF;
	s21 =	sshll.u32 s5, $0x1;
	s2 =	sadd.s32 s19, s18  }
0x9c: {  	s6 =	simm.s32 $0x0;
	s20 =	sshll.u32 s4, $0x1;
	s4 =	sadd.s32 s21, s2  }
0x9d: {  	[timem:s6], [sflag:s22] =	dma.local [hbm:s4], s20  }
0x9e: {  	_ =	swait.ge [sflag:s22], s20  }
0x9f: {  	s3 =	ssub.s32 $0x0, s20;
	[sflag:s22] =	ssyncset.done $0x0  }
0xa0: {  	[sflag:s22] =	ssyncadd.s32 s3;
	_ =	sdelay $0x1  }
0xa1: {  	s23 =	simm.s32 $0x1B8B  }
0xa2: {  	_ =	swait.ge [sflag:s23], $0x1  }
0xa3: {  	[sflag:s23] =	ssyncset.done $0x0  }
0xa4: {  	s25 =	simm.s32 $0x1B8E;
	s24 =	sld [smem:$0x3FFE];
	[sflag:s23] =	ssyncadd.s32 $0xFFFFFFFF  }
0xa5: {  	s26 =	simm.s32 $execute0_lowered;
	[smem:$0x3FD2] =	sst s25  }
0xa6: {  	s4 =	sshll.u32 s26, $0x1;
	_ =	strace $0x80000046;
	[dreg:$0x1] =	wrdreg $0xFFFFFFFF  }
0xa7: {  	s28 =	simm.s32 $_size_execute0_lowered;
	s2 =	sadd.s32 s2, s4;
	[dreg:$0x0] =	wrdreg $0x0  }
0xa8: {  	s4 =	sshll.u32 s28, $0x1;
	[dreg:$0x2] =	wrdreg s2  }
0xa9: {  	[dreg:$0x3] =	wrdreg s4  }
0xaa: {  	[dreg:$0x4] =	wrdreg $0xC0  }
0xab: {  	_ =	task [dreg:s6], $0x5FFFF  }
0xac: {  	[dreg:$0x1] =	wrdreg $0xFFFFFFFF  }
0xad: {  	[dreg:$0x0] =	wrdreg $0x60  }
0xae: {  	[dreg:$0x2] =	wrdreg s24  }
0xaf: {  	[dreg:$0x3] =	wrdreg $0x90000  }
0xb0: {  	[dreg:$0x4] =	wrdreg $0x9  }
0xb1: {  	_ =	task.clear_ibuf [dreg:s6], $0x5FFFF;
	_ =	strace $0x90000046  }
0xb2: {  	s29 =	simm.s32 $0x9;
	_ =	strace $0x80000048  }
0xb3: {  	_ =	swait.ge [sflag:s29], $0x1  }
0xb4: {  	[sflag:s29] =	ssyncadd.s32 $0xFFFFFFFF  }
0xb5: {  	_ =	strace $0x90000048  }
0xb6: {  	_ =	sfence  }
0xb7: {  	s30 =	sld [smem:$0x0];
	_ =	sdelay $0x2  }
0xb8: {  	s31 =	sshll.u32 s1, $0xD;
	s1 =	sshrl.u32 s1, $0x2  }
0xb9: {  	s3 =	sand.u32 $0x4000, s31;
	s1 =	sadd.s32 s1, s30  }
0xba: {  	s0 =	sor.u32 s3, s0;
	s1 =	sshll.u32 s1, $0x11  }
0xbb: {  	s0 =	sor.u32 s1, s0  }
0xbc: {  	s0 =	sadd.s32 $0x8F2B, s0  }
0xbd: {  	[sflag:s0] =	ssyncadd.remote.s32 $0x1  }
0xbe: {  	_ =	sfence.sel $0xFFFF  }
0xbf: {  	[dreg:$0x0] =	wrdreg $0xFFFFFFFF;
	(pc) =	sbr.abs _section_cstart, $3  }
0xc0: {  	[dreg:$0x1] =	wrdreg $0xFFFFFFFF  }
0xc1: {  	_ =	task.clear_ibuf [dreg:s6], $0x2FFFF;
	_ =	strace $0x9FFFFFFF  }
0xc2: {  	(tm) =	ssettm $0x7FFFFFFF  }
0xc3: {  	_ =	shalt  }
tec
execute0_lowered:
.L_overlay_start_1:
0x0: {  	(tag) =	ssettag $0x1  }
0x1: {  	s1 =	srdreg.scid  }
0x2: {  	s0 =	stileid.u32;
	s6 =	rddreg [dreg:$0x0]  }
0x3: {  	s2 =	rddreg [dreg:$0x1];
	s3 =	simm.s32 $0x0;
	s14 =	simm.s32 $0x80  }
0x4: {  	s15 =	simm.s32 $0x5000;
	s16 =	simm.s32 $0x1;
	s17 =	simm.s32 $0x0  }
0x5: {  	s5 =	sand.u32 $0x1, s1;
	s29 =	sshll.u32 s0, $0x1;
	s9 =	smul.u32 $0x13C00, s0  }
0x6: {  	[smem:$0x7FF] =	sst s3;
	s4 =	sadd.s32 $0x1A200, s6;
	s11 =	smul.u32 $0x4F000, s0  }
0x7: {  	s12 =	sshll.u32 s0, $0x6;
	s1 =	sor.u32 s5, s29;
	s8 =	smul.u32 $0x13C000, s5  }
0x8: {  	s30 =	ssub.s32 $0x2, s5;
	s5 =	sadd.s32 $0x41400, s6;
	s12 =	sor.u32 $0x1C02, s12  }
0x9: {  	s7 =	smul.u32 $0x500, s1;
	s1 =	rddreg [dreg:$0x2];
	_ =	strace $0x80000047  }
0xa: {  	s10 =	sshrl.u32 s30, $0x1;
	s31 =	sshrl.u32 s11, $0x2;
	s11 =	simm.s32 $0x2800  }
0xb: {  	s8 =	sadd.s32 s9, s8;
	s9 =	ssub.s32 s30, s10;
	s13 =	sadd.s32 s31, s2  }
0xc: {  	s10 =	simm.s32 $0x2;
	s7 =	sadd.s32 s7, s6;
	s8 =	sshrl.u32 s8, $0x3  }
0xd: {  	s9 =	smax.u32 s9, $0x1;
	s13 =	sshrl.u32 s13, $0x3;
	s8 =	sadd.s32 s8, s6  }
0xe: {  	s6 =	sadd.s32 $0x6200, s7;
	s7 =	sadd.s32 $0x10200, s7;
	s8 =	sadd.s32 $0x43C00, s8  }
.LBB2_1:
0xf: {  	[tilespmem:s3], [sflag:$0x2] =	stream.linear.gather [hbm4b:s6+s3], $0x2800, $0x38;
	[tilespmem:$0x1CC00] =	vst v63  }
0x10: {  	_ =	swait.ge [sflag:s10], $0x2800  }
0x11: {  	[sflag:s10] =	ssyncset.done $0x0  }
0x12: {  	[sflag:s10] =	ssyncadd.s32 $0xFFFFD800  }
0x13: {  	[tilespmem:s11], [sflag:$0x2] =	stream.linear.gather [hbm4b:s7+s3], $0x2800, $0x38;
	[tilespmem:$0x1CC00] =	vst v63  }
0x14: {  	_ =	swait.ge [sflag:s10], $0x2800  }
0x15: {  	[sflag:s10] =	ssyncset.done $0x0  }
0x16: {  	[sflag:s10] =	ssyncadd.s32 $0xFFFFD800  }
0x17: {  	[spmem:s13], [sflag:s12] =	dma.local [hbm:s5], $0x2780  }
0x18: {  	_ =	swait.ge [sflag:s10], $0x2780  }
0x19: {  	[sflag:s10] =	ssyncset.done $0x0  }
0x1a: {  	[sflag:s10] =	ssyncadd.s32 $0xFFFFD880  }
0x1b: {  	s18 =	simm.s32 $0x0;
	[bflag:$0x0] =	sbarrier.arrive $0xFFFF  }
0x1c: {  	[tilespmem:s15], [sflag:$0x1] =	stream.indirect.gather [hbm4b:s4+s14], $0x80, s18, s14, $0xb8;
	[tilespmem:$0x1CC00] =	vst v63  }
0x1d: {  	_ =	swait.ge [sflag:s16], $0x4000  }
0x1e: {  	[sflag:s16] =	ssyncset.done $0x0  }
0x1f: {  	s31 =	simm.s32 $0x2800;
	[sflag:s16] =	ssyncadd.s32 $0xFFFFC000  }
0x20: {  	[spmem:s2] =	stream.indirect.scatter.add.f32 [tilespmem:s15], [sflag:$0x2], $0x80, s31, s14, $0xb8;
	[tilespmem:$0x1CC00] =	vst v63  }
0x21: {  	_ =	swait.ge [sflag:s10], $0x4000  }
0x22: {  	s19 =	simm.s32 $0x400;
	s18 =	simm.s32 $0x200;
	[sflag:s10] =	ssyncset.done $0x0  }
.LBB2_2:
0x23: {  	s20 =	sshra.s32 s18, $0x2  }
0x24: {  	[sflag:s10] =	ssyncadd.s32 $0xFFFFC000;
	s18 =	smov.u32 s19;
	s21 =	sadd.s32 $0x200, s19  }
0x25: {  	[tilespmem:s15], [sflag:$0x1] =	stream.indirect.gather [hbm4b:s4+s14], $0x80, s20, s14, $0xb8;
	[tilespmem:$0x1CC00] =	vst v63  }
0x26: {  	p0 =	sne.s32 s19, $0x9E00;
	_ =	swait.ge [sflag:s16], $0x4000  }
.Ltmp0:
0x27: {  	[sflag:s16] =	ssyncset.done $0x0;
	(pc) =	sbr.rel @p0 .LBB2_2-.Ltmp0, $4  }
0x28: {  	s19 =	sadd.s32 $0x2800, s20;
	[sflag:s16] =	ssyncadd.s32 $0xFFFFC000  }
0x29: {  	[spmem:s2] =	stream.indirect.scatter.add.f32 [tilespmem:s15], [sflag:$0x2], $0x80, s19, s14, $0xb8;
	[tilespmem:$0x1CC00] =	vst v63  }
0x2a: {  	_ =	swait.ge [sflag:s10], $0x4000  }
0x2b: {  	s19 =	smov.u32 s21;
	[sflag:s10] =	ssyncset.done $0x0  }
0x2c: {  	s18 =	sshra.s32 s18, $0x2;
	[sflag:s10] =	ssyncadd.s32 $0xFFFFC000  }
0x2d: {  	[tilespmem:s15], [sflag:$0x1] =	stream.indirect.gather [hbm4b:s4+s14], $0x80, s18, s14, $0xb8;
	[tilespmem:$0x1CC00] =	vst v63  }
0x2e: {  	_ =	swait.ge [sflag:s16], $0x4000  }
0x2f: {  	[sflag:s16] =	ssyncset.done $0x0  }
0x30: {  	s18 =	sadd.s32 $0x2800, s18;
	[sflag:s16] =	ssyncadd.s32 $0xFFFFC000  }
0x31: {  	[spmem:s2] =	stream.indirect.scatter.add.f32 [tilespmem:s15], [sflag:$0x2], $0x80, s18, s14, $0xb8;
	[tilespmem:$0x1CC00] =	vst v63  }
0x32: {  	_ =	swait.ge [sflag:s10], $0x4000  }
0x33: {  	s17 =	sadd.s32 $0x1, s17;
	[sflag:s10] =	ssyncset.done $0x0  }
0x34: {  	p0 =	sne.s32 s17, s9;
	[sflag:s10] =	ssyncadd.s32 $0xFFFFC000  }
.Ltmp1:
0x35: {  	[bflag:$0x0] =	sbarrier.arrive $0xFFFF;
	(pc) =	sbr.rel @p0 .LBB2_1-.Ltmp1, $4  }
0x36: {  	[hbm:s8], [sflag:s12] =	dma.local [spmem:s13], $0x2780  }
0x37: {  	_ =	swait.ge [sflag:s10], $0x2780  }
0x38: {  	[sflag:s10] =	ssyncset.done $0x0  }
0x39: {  	[sflag:s10] =	ssyncadd.s32 $0xFFFFD880  }
0x3a: {  	_ =	sfence.sel $0x180000  }
0x3b: {  	[bflag:$0x0] =	sbarrier.arrive $0xFFFF  }
0x3c: {  	p0 =	sne.s32 s0, $0x0;
	_ =	strace $0x90000047  }
0x3d: {  	s0 =	sadd.s32 @!p0 $0x100000, s1;
	[bflag:$0x2] =	sbarrier.arrive $0xFFFF  }
0x3e: {  	[sflag:s0] =	ssyncadd.tile.s32 @!p0 $0x1;
	_ =	shalt  }
.Lfunc_end2:
_tile_overlayer_lowered:
.L_overlay_start_2:
0x3f: {  	(tag) =	ssettag $0x2  }
0x40: {  	s0 =	rddreg [dreg:$0x0];
	s2 =	stileid.u32  }
0x41: {  	s1 =	rddreg [dreg:$0x1];
	p0 =	sne.s32 s2, $0x0  }
0x42: {  	s3 =	rddreg [dreg:$0x2];
	[bflag:$0x3] =	sbarrier.arrive $0xFFFF;
	s2 =	simm.s32 @!p0 $0x1C02  }
0x43: {  	[timem:s3], [sflag:s2] =	dma.local @!p0 [hbm:s0], s1  }
0x44: {  	s0 =	simm.s32 @!p0 $0x2  }
0x45: {  	_ =	swait.ge @!p0 [sflag:s0], s1  }
0x46: {  	s1 =	ssub.s32 @!p0 $0x0, s1;
	[sflag:s0] =	ssyncset.done @!p0 $0x0  }
0x47: {  	[sflag:s0] =	ssyncadd.s32 @!p0 s1  }
0x48: {  	[bflag:$0x3] =	sbarrier.arrive $0xFFFF  }
0x49: {  	_ =	shalt  }

</sc_bundles>
